<compile_context>
chip_gen: v7x
topology: tpu7x:2x2x1
jax: 0.10.2.dev20260603
libtpu: 0.0.44.dev20260713+nightly
codegen_flags: <defaults>
</compile_context>

<pallas_src>
import functools

import jax
import jax.numpy as jnp
from jax import lax
from jax.experimental import pallas as pl
from jax.experimental.pallas import tpu as pltpu
from jax.experimental.pallas import tpu_sc as plsc

K_CODES = 8192
DIM = 64
ROWS = 9216
R_BLK = 1152
C_CH = 512
LANES = 128


def _dist_argmin_body(flat_ref, cb_hbm, cn_ref, ids_ref, loss_ref,
                      cb_vmem, cb_sem, acc_ref, vacc_ref, cacc_ref):
    i = pl.program_id(0)

    @pl.when(i == 0)
    def _():
        pltpu.make_async_copy(cb_hbm, cb_vmem, cb_sem).start()
        pltpu.make_async_copy(cb_hbm, cb_vmem, cb_sem).wait()
        acc_ref[0] = 0.0

    flat = flat_ref[...]
    rn = jnp.sum(flat ** 2, axis=1, keepdims=True)
    flat2 = flat + flat
    vacc_ref[...] = jnp.full((R_BLK, LANES), jnp.inf, jnp.float32)
    cacc_ref[...] = jnp.zeros((R_BLK, LANES), jnp.float32)
    for c in range(K_CODES // C_CH):
        mm2 = lax.dot_general(
            flat2, cb_vmem[pl.ds(c * C_CH, C_CH), :],
            (((1,), (1,)), ((), ())),
            preferred_element_type=jnp.float32,
        )
        dist = (rn - mm2) + cn_ref[:, pl.ds(c * C_CH, C_CH)]
        ng = C_CH // LANES
        ms = [dist[:, k * LANES:(k + 1) * LANES] for k in range(ng)]
        gs = [jnp.float32(ng * c + k) for k in range(ng)]
        while len(ms) > 1:
            nms, ngs = [], []
            for k in range(0, len(ms), 2):
                a, b = ms[k], ms[k + 1]
                ga, gb = gs[k], gs[k + 1]
                lt = b < a
                nms.append(jnp.minimum(b, a))
                ngs.append(jnp.where(lt, gb, ga))
            ms, gs = nms, ngs
        m, g = ms[0], gs[0]
        va = vacc_ref[...]
        u = m < va
        vacc_ref[...] = jnp.minimum(m, va)
        cacc_ref[...] = jnp.where(u, g, cacc_ref[...])
    vacc = vacc_ref[...]
    minval = jnp.min(vacc, axis=1, keepdims=True)
    lane = lax.broadcasted_iota(jnp.int32, (R_BLK, LANES), 1).astype(jnp.float32)
    fidx = cacc_ref[...] * jnp.float32(LANES) + lane
    ids = jnp.min(jnp.where(vacc == minval, fidx, jnp.float32(K_CODES)),
                  axis=1, keepdims=True)
    ids_ref[...] = ids.astype(jnp.int32)
    acc_ref[0] += jnp.sum(minval)

    @pl.when(i == pl.num_programs(0) - 1)
    def _():
        loss_ref[0] = acc_ref[0]


def _ids_and_loss(flat, codebook, cn):
    nb = flat.shape[0] // R_BLK
    ids2d, loss = pl.pallas_call(
        _dist_argmin_body,
        grid=(nb,),
        in_specs=[
            pl.BlockSpec((R_BLK, DIM), lambda i: (i, 0)),
            pl.BlockSpec(memory_space=pl.ANY),
            pl.BlockSpec((1, K_CODES), lambda i: (0, 0)),
        ],
        scratch_shapes=[
            pltpu.VMEM((K_CODES, DIM), jnp.float32),
            pltpu.SemaphoreType.DMA,
            pltpu.SMEM((1,), jnp.float32),
            pltpu.VMEM((R_BLK, LANES), jnp.float32),
            pltpu.VMEM((R_BLK, LANES), jnp.float32),
        ],
        out_specs=[
            pl.BlockSpec((R_BLK, 1), lambda i: (i, 0)),
            pl.BlockSpec(memory_space=pltpu.SMEM),
        ],
        out_shape=[
            jax.ShapeDtypeStruct((flat.shape[0], 1), jnp.int32),
            jax.ShapeDtypeStruct((1,), jnp.float32),
        ],
        compiler_params=pltpu.CompilerParams(
            dimension_semantics=("arbitrary",),
        ),
    )(flat, codebook, cn)
    return ids2d, loss


def _make_sc_gather(rows):
    info = plsc.get_sparse_core_info()
    nc, ns = info.num_cores, info.num_subcores
    nw = nc * ns
    bpw = rows // nw
    n_ch = (bpw + 127) // 128
    ch = bpw // n_ch
    mesh = plsc.VectorSubcoreMesh(core_axis_name="c", subcore_axis_name="s")

    @functools.partial(
        pl.kernel,
        mesh=mesh,
        out_type=jax.ShapeDtypeStruct((rows, DIM), jnp.float32),
        scratch_types=[
            pltpu.VMEM((n_ch, ch), jnp.int32),
            pltpu.VMEM((bpw, DIM), jnp.float32),
            pltpu.SemaphoreType.DMA,
        ],
        compiler_params=pltpu.CompilerParams(use_tc_tiling_on_sc=False),
    )
    def gather_k(table_hbm, idx_hbm, out_hbm, idx_v, rows_v, sem):
        wid = lax.axis_index("s") * nc + lax.axis_index("c")
        pltpu.sync_copy(idx_hbm.at[wid], idx_v)
        copies = [
            pltpu.async_copy(
                table_hbm.at[idx_v.at[j]],
                rows_v.at[pl.ds(j * ch, ch)],
                sem,
            )
            for j in range(n_ch)
        ]
        for c in copies:
            c.wait()
        pltpu.sync_copy(rows_v, out_hbm.at[pl.ds(wid * bpw, bpw)])

    return gather_k, nw, n_ch, ch


def kernel(z_e, codebook):
    B, T, D = z_e.shape
    flat = z_e.reshape(B * T, D)
    cn = jnp.sum(codebook ** 2, axis=1)[None, :]
    ids2d, loss = _ids_and_loss(flat, codebook, cn)
    ids = ids2d.reshape(B * T)

    gather_k, nw, n_ch, ch = _make_sc_gather(B * T)
    z_q = gather_k(codebook, ids.reshape(nw, n_ch, ch))

    vq_loss = (1.25 / (B * T * D)) * loss[0]
    return (z_q.reshape(B, T, D), ids.reshape(B, T), vq_loss)

# --- scband reference (transcript-rebuilt; emitter-appended) ---
"""Pipeline reference for scband-vector-quantizer-7705171329578 (READ-ONLY COPY).

The authoritative reference and input builder live on the scoring server;
editing this copy changes nothing except your own understanding.
"""

import jax, jax.numpy as jnp
import numpy as np

NUM_CODES = 8192
CODE_DIM = 64
BETA = 0.25


def setup_inputs(seed: int = 0) -> dict:
    key = jax.random.key(seed)
    k1, k2 = jax.random.split(key)
    z_e = jax.random.normal(k1, (16, 576, 64), dtype=jnp.float32)
    # codebook initialized uniform(-1/num_codes, 1/num_codes) as in the torch module
    codebook = jax.random.uniform(k2, (NUM_CODES, CODE_DIM), dtype=jnp.float32,
                                  minval=-1.0 / NUM_CODES, maxval=1.0 / NUM_CODES)
    return {"z_e": z_e, "codebook": codebook}


def reference(z_e, codebook):
    B, T, D = z_e.shape
    flat = z_e.reshape(B * T, D)
    # dist[i, j] = ||flat_i||^2 - 2 flat_i . e_j + ||e_j||^2
    dist = (jnp.sum(flat ** 2, axis=1, keepdims=True)
            - 2.0 * flat @ codebook.T
            + jnp.sum(codebook ** 2, axis=1)[None, :])
    ids = jnp.argmin(dist, axis=1)
    z_q = jnp.take(codebook, ids, axis=0).reshape(B, T, D)
    codebook_loss = jnp.mean((z_q - jax.lax.stop_gradient(z_e)) ** 2)
    commit_loss = jnp.mean((z_e - jax.lax.stop_gradient(z_q)) ** 2)
    vq_loss = codebook_loss + BETA * commit_loss
    z_q_st = z_e + jax.lax.stop_gradient(z_q - z_e)
    return (z_q_st, ids.reshape(B, T), vq_loss)

if __name__ == "__main__":
    import jax
    _d = setup_inputs()
    print(jax.jit(kernel)(*tuple(_d.values())))

</pallas_src>

<mosaic_0001>
#map = affine_map<(d0, d1) -> (0, 0)>
#map1 = affine_map<(d0, d1) -> (0, 0, 0)>
module attributes {stable_mosaic.version = 14 : i64} {
  func.func @gather_k(%arg0: i32, %arg1: i32, %arg2: memref<8192x64xf32, #tpu.memory_space<hbm>>, %arg3: memref<32x3x96xi32, #tpu.memory_space<hbm>>, %arg4: memref<9216x64xf32, #tpu.memory_space<hbm>>, %arg5: memref<3x96xi32, #tpu.memory_space<vmem>>, %arg6: memref<288x64xf32, #tpu.memory_space<vmem>>, %arg7: memref<!tpu.dma_semaphore, #tpu.memory_space<semaphore_mem>>) attributes {dimension_semantics = [#tpu.dimension_semantics<core_parallel>, #tpu.dimension_semantics<subcore_parallel>], iteration_bounds = array<i64: 2, 16>, scalar_prefetch = 0 : i64, scratch_operands = 3 : i64, tpu.core_type = #tpu.core_type<sc_vector_subcore>, window_params = [{transform_indices = #map}, {transform_indices = #map1}, {transform_indices = #map}]} {
    %mul3A = arith.constant 2 : i32
    %mul3A_0 = arith.muli %arg1, %mul3A : i32
    %add3A = arith.addi %mul3A_0, %arg0 : i32
    "tpu.region"() ({
      %run_scoped3A = tpu.sem_alloc : memref<!tpu.dma_semaphore, #tpu.memory_space<semaphore_mem>>
      %dma_start3A_61 = arith.constant 0 : i32
      %dma_start3A_62 = arith.constant 0 : i32
      %dma_start3A_63 = tpu.memref_slice %arg3[%add3A, %dma_start3A_61, %dma_start3A_62] : memref<32x3x96xi32, #tpu.memory_space<hbm>> -> memref<1x3x96xi32, #tpu.memory_space<hbm>>
      %dma_start3A_64 = tpu.memref_squeeze %dma_start3A_63 : memref<1x3x96xi32, #tpu.memory_space<hbm>> -> memref<3x96xi32, #tpu.memory_space<hbm>>
      %dma_start3A_65 = arith.constant 0 : i32
      %dma_start3A_66 = arith.constant 0 : i32
      %dma_start3A_67 = tpu.memref_slice %arg3[%add3A, %dma_start3A_65, %dma_start3A_66] : memref<32x3x96xi32, #tpu.memory_space<hbm>> -> memref<1x3x96xi32, #tpu.memory_space<hbm>>
      %dma_start3A_68 = tpu.memref_squeeze %dma_start3A_67 : memref<1x3x96xi32, #tpu.memory_space<hbm>> -> memref<3x96xi32, #tpu.memory_space<hbm>>
      tpu.enqueue_dma source(%dma_start3A_68 : memref<3x96xi32, #tpu.memory_space<hbm>>) target(%arg5 : memref<3x96xi32, #tpu.memory_space<vmem>>) target_semaphore(%run_scoped3A : memref<!tpu.dma_semaphore, #tpu.memory_space<semaphore_mem>>)
      %dma_wait3A_69 = arith.constant 0 : i32
      %dma_wait3A_70 = arith.constant 0 : i32
      %dma_wait3A_71 = tpu.memref_slice %arg3[%add3A, %dma_wait3A_69, %dma_wait3A_70] : memref<32x3x96xi32, #tpu.memory_space<hbm>> -> memref<1x3x96xi32, #tpu.memory_space<hbm>>
      %dma_wait3A_72 = tpu.memref_squeeze %dma_wait3A_71 : memref<1x3x96xi32, #tpu.memory_space<hbm>> -> memref<3x96xi32, #tpu.memory_space<hbm>>
      %dma_wait3A_73 = arith.constant 0 : i32
      %dma_wait3A_74 = arith.constant 0 : i32
      %dma_wait3A_75 = tpu.memref_slice %arg3[%add3A, %dma_wait3A_73, %dma_wait3A_74] : memref<32x3x96xi32, #tpu.memory_space<hbm>> -> memref<1x3x96xi32, #tpu.memory_space<hbm>>
      %dma_wait3A_76 = tpu.memref_squeeze %dma_wait3A_75 : memref<1x3x96xi32, #tpu.memory_space<hbm>> -> memref<3x96xi32, #tpu.memory_space<hbm>>
      tpu.wait_dma2 semaphore(%run_scoped3A : memref<!tpu.dma_semaphore, #tpu.memory_space<semaphore_mem>>) src(%dma_wait3A_76 : memref<3x96xi32, #tpu.memory_space<hbm>>) dst(%arg5 : memref<3x96xi32, #tpu.memory_space<vmem>>)
      tpu.yield
    }) : () -> ()
    %dma_start3A = arith.constant 0 : i32
    %dma_start3A_1 = arith.constant 0 : i32
    %dma_start3A_2 = arith.constant 0 : i32
    %dma_start3A_3 = tpu.memref_slice %arg6[%dma_start3A_1, %dma_start3A_2] : memref<288x64xf32, #tpu.memory_space<vmem>> -> memref<96x64xf32, #tpu.memory_space<vmem>>
    %dma_start3A_4 = arith.constant 0 : i32
    %dma_start3A_5 = tpu.memref_slice %arg5[%dma_start3A, %dma_start3A_4] : memref<3x96xi32, #tpu.memory_space<vmem>> -> memref<1x96xi32, #tpu.memory_space<vmem>>
    %dma_start3A_6 = tpu.memref_squeeze %dma_start3A_5 : memref<1x96xi32, #tpu.memory_space<vmem>> -> memref<96xi32, #tpu.memory_space<vmem>>
    %dma_start3A_7 = arith.constant 0 : i32
    %dma_start3A_8 = arith.constant 0 : i32
    %dma_start3A_9 = tpu.memref_slice %arg2[%dma_start3A_7, %dma_start3A_8] : memref<8192x64xf32, #tpu.memory_space<hbm>> -> memref<8192x64xf32, #tpu.memory_space<hbm>>
    tpu.enqueue_indirect_dma source(%dma_start3A_9 : memref<8192x64xf32, #tpu.memory_space<hbm>>) target(%dma_start3A_3 : memref<96x64xf32, #tpu.memory_space<vmem>>) offsets(%dma_start3A_6 : memref<96xi32, #tpu.memory_space<vmem>>) semaphore(%arg7 : memref<!tpu.dma_semaphore, #tpu.memory_space<semaphore_mem>>)
    %dma_start3A_10 = arith.constant 1 : i32
    %dma_start3A_11 = arith.constant 96 : i32
    %dma_start3A_12 = arith.constant 0 : i32
    %dma_start3A_13 = tpu.memref_slice %arg6[%dma_start3A_11, %dma_start3A_12] : memref<288x64xf32, #tpu.memory_space<vmem>> -> memref<96x64xf32, #tpu.memory_space<vmem>>
    %dma_start3A_14 = arith.constant 0 : i32
    %dma_start3A_15 = tpu.memref_slice %arg5[%dma_start3A_10, %dma_start3A_14] : memref<3x96xi32, #tpu.memory_space<vmem>> -> memref<1x96xi32, #tpu.memory_space<vmem>>
    %dma_start3A_16 = tpu.memref_squeeze %dma_start3A_15 : memref<1x96xi32, #tpu.memory_space<vmem>> -> memref<96xi32, #tpu.memory_space<vmem>>
    %dma_start3A_17 = arith.constant 0 : i32
    %dma_start3A_18 = arith.constant 0 : i32
    %dma_start3A_19 = tpu.memref_slice %arg2[%dma_start3A_17, %dma_start3A_18] : memref<8192x64xf32, #tpu.memory_space<hbm>> -> memref<8192x64xf32, #tpu.memory_space<hbm>>
    tpu.enqueue_indirect_dma source(%dma_start3A_19 : memref<8192x64xf32, #tpu.memory_space<hbm>>) target(%dma_start3A_13 : memref<96x64xf32, #tpu.memory_space<vmem>>) offsets(%dma_start3A_16 : memref<96xi32, #tpu.memory_space<vmem>>) semaphore(%arg7 : memref<!tpu.dma_semaphore, #tpu.memory_space<semaphore_mem>>)
    %dma_start3A_20 = arith.constant 2 : i32
    %dma_start3A_21 = arith.constant 192 : i32
    %dma_start3A_22 = arith.constant 0 : i32
    %dma_start3A_23 = tpu.memref_slice %arg6[%dma_start3A_21, %dma_start3A_22] : memref<288x64xf32, #tpu.memory_space<vmem>> -> memref<96x64xf32, #tpu.memory_space<vmem>>
    %dma_start3A_24 = arith.constant 0 : i32
    %dma_start3A_25 = tpu.memref_slice %arg5[%dma_start3A_20, %dma_start3A_24] : memref<3x96xi32, #tpu.memory_space<vmem>> -> memref<1x96xi32, #tpu.memory_space<vmem>>
    %dma_start3A_26 = tpu.memref_squeeze %dma_start3A_25 : memref<1x96xi32, #tpu.memory_space<vmem>> -> memref<96xi32, #tpu.memory_space<vmem>>
    %dma_start3A_27 = arith.constant 0 : i32
    %dma_start3A_28 = arith.constant 0 : i32
    %dma_start3A_29 = tpu.memref_slice %arg2[%dma_start3A_27, %dma_start3A_28] : memref<8192x64xf32, #tpu.memory_space<hbm>> -> memref<8192x64xf32, #tpu.memory_space<hbm>>
    tpu.enqueue_indirect_dma source(%dma_start3A_29 : memref<8192x64xf32, #tpu.memory_space<hbm>>) target(%dma_start3A_23 : memref<96x64xf32, #tpu.memory_space<vmem>>) offsets(%dma_start3A_26 : memref<96xi32, #tpu.memory_space<vmem>>) semaphore(%arg7 : memref<!tpu.dma_semaphore, #tpu.memory_space<semaphore_mem>>)
    %dma_wait3A = arith.constant 0 : i32
    %dma_wait3A_30 = arith.constant 0 : i32
    %dma_wait3A_31 = arith.constant 0 : i32
    %dma_wait3A_32 = tpu.memref_slice %arg6[%dma_wait3A_30, %dma_wait3A_31] : memref<288x64xf32, #tpu.memory_space<vmem>> -> memref<96x64xf32, #tpu.memory_space<vmem>>
    %dma_wait3A_33 = arith.constant 0 : i32
    %dma_wait3A_34 = tpu.memref_slice %arg5[%dma_wait3A, %dma_wait3A_33] : memref<3x96xi32, #tpu.memory_space<vmem>> -> memref<1x96xi32, #tpu.memory_space<vmem>>
    %dma_wait3A_35 = tpu.memref_squeeze %dma_wait3A_34 : memref<1x96xi32, #tpu.memory_space<vmem>> -> memref<96xi32, #tpu.memory_space<vmem>>
    %dma_wait3A_36 = arith.constant 0 : i32
    %dma_wait3A_37 = arith.constant 0 : i32
    %dma_wait3A_38 = tpu.memref_slice %arg2[%dma_wait3A_36, %dma_wait3A_37] : memref<8192x64xf32, #tpu.memory_space<hbm>> -> memref<8192x64xf32, #tpu.memory_space<hbm>>
    tpu.wait_indirect_dma semaphore(%arg7 : memref<!tpu.dma_semaphore, #tpu.memory_space<semaphore_mem>>) src(%dma_wait3A_38 : memref<8192x64xf32, #tpu.memory_space<hbm>>) dst(%dma_wait3A_32 : memref<96x64xf32, #tpu.memory_space<vmem>>)
    %dma_wait3A_39 = arith.constant 1 : i32
    %dma_wait3A_40 = arith.constant 96 : i32
    %dma_wait3A_41 = arith.constant 0 : i32
    %dma_wait3A_42 = tpu.memref_slice %arg6[%dma_wait3A_40, %dma_wait3A_41] : memref<288x64xf32, #tpu.memory_space<vmem>> -> memref<96x64xf32, #tpu.memory_space<vmem>>
    %dma_wait3A_43 = arith.constant 0 : i32
    %dma_wait3A_44 = tpu.memref_slice %arg5[%dma_wait3A_39, %dma_wait3A_43] : memref<3x96xi32, #tpu.memory_space<vmem>> -> memref<1x96xi32, #tpu.memory_space<vmem>>
    %dma_wait3A_45 = tpu.memref_squeeze %dma_wait3A_44 : memref<1x96xi32, #tpu.memory_space<vmem>> -> memref<96xi32, #tpu.memory_space<vmem>>
    %dma_wait3A_46 = arith.constant 0 : i32
    %dma_wait3A_47 = arith.constant 0 : i32
    %dma_wait3A_48 = tpu.memref_slice %arg2[%dma_wait3A_46, %dma_wait3A_47] : memref<8192x64xf32, #tpu.memory_space<hbm>> -> memref<8192x64xf32, #tpu.memory_space<hbm>>
    tpu.wait_indirect_dma semaphore(%arg7 : memref<!tpu.dma_semaphore, #tpu.memory_space<semaphore_mem>>) src(%dma_wait3A_48 : memref<8192x64xf32, #tpu.memory_space<hbm>>) dst(%dma_wait3A_42 : memref<96x64xf32, #tpu.memory_space<vmem>>)
    %dma_wait3A_49 = arith.constant 2 : i32
    %dma_wait3A_50 = arith.constant 192 : i32
    %dma_wait3A_51 = arith.constant 0 : i32
    %dma_wait3A_52 = tpu.memref_slice %arg6[%dma_wait3A_50, %dma_wait3A_51] : memref<288x64xf32, #tpu.memory_space<vmem>> -> memref<96x64xf32, #tpu.memory_space<vmem>>
    %dma_wait3A_53 = arith.constant 0 : i32
    %dma_wait3A_54 = tpu.memref_slice %arg5[%dma_wait3A_49, %dma_wait3A_53] : memref<3x96xi32, #tpu.memory_space<vmem>> -> memref<1x96xi32, #tpu.memory_space<vmem>>
    %dma_wait3A_55 = tpu.memref_squeeze %dma_wait3A_54 : memref<1x96xi32, #tpu.memory_space<vmem>> -> memref<96xi32, #tpu.memory_space<vmem>>
    %dma_wait3A_56 = arith.constant 0 : i32
    %dma_wait3A_57 = arith.constant 0 : i32
    %dma_wait3A_58 = tpu.memref_slice %arg2[%dma_wait3A_56, %dma_wait3A_57] : memref<8192x64xf32, #tpu.memory_space<hbm>> -> memref<8192x64xf32, #tpu.memory_space<hbm>>
    tpu.wait_indirect_dma semaphore(%arg7 : memref<!tpu.dma_semaphore, #tpu.memory_space<semaphore_mem>>) src(%dma_wait3A_58 : memref<8192x64xf32, #tpu.memory_space<hbm>>) dst(%dma_wait3A_52 : memref<96x64xf32, #tpu.memory_space<vmem>>)
    %mul3A_59 = arith.constant 288 : i32
    %mul3A_60 = arith.muli %add3A, %mul3A_59 : i32
    "tpu.region"() ({
      %run_scoped3A = tpu.sem_alloc : memref<!tpu.dma_semaphore, #tpu.memory_space<semaphore_mem>>
      %dma_start3A_61 = arith.constant 0 : i32
      %dma_start3A_62 = tpu.memref_slice %arg4[%mul3A_60, %dma_start3A_61] : memref<9216x64xf32, #tpu.memory_space<hbm>> -> memref<288x64xf32, #tpu.memory_space<hbm>>
      %dma_start3A_63 = arith.constant 0 : i32
      %dma_start3A_64 = tpu.memref_slice %arg4[%mul3A_60, %dma_start3A_63] : memref<9216x64xf32, #tpu.memory_space<hbm>> -> memref<288x64xf32, #tpu.memory_space<hbm>>
      tpu.enqueue_dma source(%arg6 : memref<288x64xf32, #tpu.memory_space<vmem>>) target(%dma_start3A_64 : memref<288x64xf32, #tpu.memory_space<hbm>>) target_semaphore(%run_scoped3A : memref<!tpu.dma_semaphore, #tpu.memory_space<semaphore_mem>>)
      %dma_wait3A_65 = arith.constant 0 : i32
      %dma_wait3A_66 = tpu.memref_slice %arg4[%mul3A_60, %dma_wait3A_65] : memref<9216x64xf32, #tpu.memory_space<hbm>> -> memref<288x64xf32, #tpu.memory_space<hbm>>
      %dma_wait3A_67 = arith.constant 0 : i32
      %dma_wait3A_68 = tpu.memref_slice %arg4[%mul3A_60, %dma_wait3A_67] : memref<9216x64xf32, #tpu.memory_space<hbm>> -> memref<288x64xf32, #tpu.memory_space<hbm>>
      tpu.wait_dma2 semaphore(%run_scoped3A : memref<!tpu.dma_semaphore, #tpu.memory_space<semaphore_mem>>) src(%arg6 : memref<288x64xf32, #tpu.memory_space<vmem>>) dst(%dma_wait3A_68 : memref<288x64xf32, #tpu.memory_space<hbm>>)
      tpu.yield
    }) : () -> ()
    return
  }
}

module attributes {stable_mosaic.version = 14 : i64} {
  func.func @_dist_argmin_body(%arg0: i32, %arg1: memref<1152x64xf32, #tpu.memory_space<vmem>>, %arg2: memref<8192x64xf32, #tpu.memory_space<any>>, %arg3: memref<1x8192xf32, #tpu.memory_space<vmem>>, %arg4: memref<1152x1xi32, #tpu.memory_space<vmem>>, %arg5: memref<1xf32, #tpu.memory_space<smem>>, %arg6: memref<8192x64xf32, #tpu.memory_space<vmem>>, %arg7: memref<!tpu.dma_semaphore, #tpu.memory_space<semaphore_mem>>, %arg8: memref<1xf32, #tpu.memory_space<smem>>, %arg9: memref<1152x128xf32, #tpu.memory_space<vmem>>, %arg10: memref<1152x128xf32, #tpu.memory_space<vmem>>) attributes {dimension_semantics = [#tpu.dimension_semantics<arbitrary>], iteration_bounds = array<i64: 8>, scalar_prefetch = 0 : i64, scratch_operands = 5 : i64, tpu.core_type = #tpu.core_type<tc>, window_params = [{transform_indices = @transform_0, window_bounds = array<i64: 1152, 64>}, {}, {pipeline_mode = #tpu.pipeline_mode<synchronous>, transform_indices = @transform_2, window_bounds = array<i64: 1, 8192>}, {transform_indices = @transform_3, window_bounds = array<i64: 1152, 1>}, {transform_indices = @transform_4, window_bounds = array<i64: 1>}]} {
    %eq3A = arith.constant 0 : i32
    %eq3A_0 = arith.cmpi eq, %arg0, %eq3A : i32
    %convert_element_type3A = arith.extui %eq3A_0 : i1 to i32
    %cond3A = arith.constant 0 : i32
    %cond3A_1 = arith.cmpi ne, %convert_element_type3A, %cond3A : i32
    scf.if %cond3A_1 {
      tpu.enqueue_dma source(%arg2 : memref<8192x64xf32, #tpu.memory_space<any>>) target(%arg6 : memref<8192x64xf32, #tpu.memory_space<vmem>>) target_semaphore(%arg7 : memref<!tpu.dma_semaphore, #tpu.memory_space<semaphore_mem>>)
      tpu.wait_dma2 semaphore(%arg7 : memref<!tpu.dma_semaphore, #tpu.memory_space<semaphore_mem>>) src(%arg2 : memref<8192x64xf32, #tpu.memory_space<any>>) dst(%arg6 : memref<8192x64xf32, #tpu.memory_space<vmem>>)
      %swap3A_814 = arith.constant 0.000000e+00 : f32
      %swap3A_815 = arith.constant 0 : index
      %swap3A_816 = memref.load %arg8[%swap3A_815] : memref<1xf32, #tpu.memory_space<smem>>
      memref.store %swap3A_814, %arg8[%swap3A_815] : memref<1xf32, #tpu.memory_space<smem>>
    } else {
    }
    %get3A = arith.constant 0 : index
    %get3A_2 = arith.constant 0 : index
    %get3A_3 = vector.load %arg1[%get3A, %get3A_2] : memref<1152x64xf32, #tpu.memory_space<vmem>>, vector<1152x64xf32>
    %integer_pow3A = arith.mulf %get3A_3, %get3A_3 : vector<1152x64xf32>
    %reduce_sum3A = arith.constant dense<0.000000e+00> : vector<1152xf32>
    %reduce_sum3A_4 = vector.multi_reduction <add>, %integer_pow3A, %reduce_sum3A [1] : vector<1152x64xf32> to vector<1152xf32>
    %broadcast_in_dim3A = vector.shape_cast %reduce_sum3A_4 : vector<1152xf32> to vector<1152x1xf32>
    %add3A = arith.addf %get3A_3, %get3A_3 : vector<1152x64xf32>
    %broadcast_in_dim3A_5 = arith.constant 0x7F800000 : f32
    %broadcast_in_dim3A_6 = vector.broadcast %broadcast_in_dim3A_5 : f32 to vector<1152x128xf32>
    %swap3A = arith.constant 0 : index
    %swap3A_7 = arith.constant 0 : index
    %swap3A_8 = vector.load %arg9[%swap3A, %swap3A_7] : memref<1152x128xf32, #tpu.memory_space<vmem>>, vector<1152x128xf32>
    tpu.vector_store %arg9[%swap3A, %swap3A_7], %broadcast_in_dim3A_6 {strides = array<i32>} : memref<1152x128xf32, #tpu.memory_space<vmem>>, vector<1152x128xf32>,
    %broadcast_in_dim3A_9 = arith.constant 0.000000e+00 : f32
    %broadcast_in_dim3A_10 = vector.broadcast %broadcast_in_dim3A_9 : f32 to vector<1152x128xf32>
    %swap3A_11 = arith.constant 0 : index
    %swap3A_12 = arith.constant 0 : index
    %swap3A_13 = vector.load %arg10[%swap3A_11, %swap3A_12] : memref<1152x128xf32, #tpu.memory_space<vmem>>, vector<1152x128xf32>
    tpu.vector_store %arg10[%swap3A_11, %swap3A_12], %broadcast_in_dim3A_10 {strides = array<i32>} : memref<1152x128xf32, #tpu.memory_space<vmem>>, vector<1152x128xf32>,
    %get3A_14 = arith.constant 0 : index
    %get3A_15 = arith.constant 0 : index
    %get3A_16 = vector.load %arg6[%get3A_14, %get3A_15] : memref<8192x64xf32, #tpu.memory_space<vmem>>, vector<512x64xf32>
    %dot_general3A = arith.constant dense<0.000000e+00> : vector<1152x512xf32>
    %dot_general3A_17 = tpu.matmul %add3A, %get3A_16, %dot_general3A {dimension_numbers = #tpu.dot_dimension_numbers<[1], [1], [0], [0], [0, 0, 1, 0], [], []>, transpose_lhs_hint = false} : vector<1152x64xf32>, vector<512x64xf32>, vector<1152x512xf32> -> vector<1152x512xf32>
    %sub3A = vector.broadcast %broadcast_in_dim3A : vector<1152x1xf32> to vector<1152x512xf32>
    %sub3A_18 = arith.subf %sub3A, %dot_general3A_17 : vector<1152x512xf32>
    %get3A_19 = arith.constant 0 : index
    %get3A_20 = arith.constant 0 : index
    %get3A_21 = vector.load %arg3[%get3A_19, %get3A_20] : memref<1x8192xf32, #tpu.memory_space<vmem>>, vector<1x512xf32>
    %add3A_22 = vector.broadcast %get3A_21 : vector<1x512xf32> to vector<1152x512xf32>
    %add3A_23 = arith.addf %sub3A_18, %add3A_22 : vector<1152x512xf32>
    %slice3A = vector.extract_strided_slice %add3A_23 {offsets = [0, 0], sizes = [1152, 128], strides = [1, 1]} : vector<1152x512xf32> to vector<1152x128xf32>
    %slice3A_24 = vector.extract_strided_slice %add3A_23 {offsets = [0, 128], sizes = [1152, 128], strides = [1, 1]} : vector<1152x512xf32> to vector<1152x128xf32>
    %slice3A_25 = vector.extract_strided_slice %add3A_23 {offsets = [0, 256], sizes = [1152, 128], strides = [1, 1]} : vector<1152x512xf32> to vector<1152x128xf32>
    %slice3A_26 = vector.extract_strided_slice %add3A_23 {offsets = [0, 384], sizes = [1152, 128], strides = [1, 1]} : vector<1152x512xf32> to vector<1152x128xf32>
    %lt3A = arith.cmpf olt, %slice3A_24, %slice3A : vector<1152x128xf32>
    %min3A = arith.minimumf %slice3A_24, %slice3A : vector<1152x128xf32>
    %jit3A = arith.constant 1.000000e+00 : f32
    %jit3A_27 = arith.constant 0.000000e+00 : f32
    %broadcast_in_dim3A_28 = vector.broadcast %jit3A : f32 to vector<1152x128xf32>
    %broadcast_in_dim3A_29 = vector.broadcast %jit3A_27 : f32 to vector<1152x128xf32>
    %select_n3A = arith.select %lt3A, %broadcast_in_dim3A_28, %broadcast_in_dim3A_29 : vector<1152x128xi1>, vector<1152x128xf32>
    %lt3A_30 = arith.cmpf olt, %slice3A_26, %slice3A_25 : vector<1152x128xf32>
    %min3A_31 = arith.minimumf %slice3A_26, %slice3A_25 : vector<1152x128xf32>
    %jit3A_32 = arith.constant 3.000000e+00 : f32
    %jit3A_33 = arith.constant 2.000000e+00 : f32
    %broadcast_in_dim3A_34 = vector.broadcast %jit3A_32 : f32 to vector<1152x128xf32>
    %broadcast_in_dim3A_35 = vector.broadcast %jit3A_33 : f32 to vector<1152x128xf32>
    %select_n3A_36 = arith.select %lt3A_30, %broadcast_in_dim3A_34, %broadcast_in_dim3A_35 : vector<1152x128xi1>, vector<1152x128xf32>
    %lt3A_37 = arith.cmpf olt, %min3A_31, %min3A : vector<1152x128xf32>
    %min3A_38 = arith.minimumf %min3A_31, %min3A : vector<1152x128xf32>
    %select_n3A_39 = arith.select %lt3A_37, %select_n3A_36, %select_n3A : vector<1152x128xi1>, vector<1152x128xf32>
    %get3A_40 = arith.constant 0 : index
    %get3A_41 = arith.constant 0 : index
    %get3A_42 = vector.load %arg9[%get3A_40, %get3A_41] : memref<1152x128xf32, #tpu.memory_space<vmem>>, vector<1152x128xf32>
    %lt3A_43 = arith.cmpf olt, %min3A_38, %get3A_42 : vector<1152x128xf32>
    %min3A_44 = arith.minimumf %min3A_38, %get3A_42 : vector<1152x128xf32>
    %swap3A_45 = arith.constant 0 : index
    %swap3A_46 = arith.constant 0 : index
    %swap3A_47 = vector.load %arg9[%swap3A_45, %swap3A_46] : memref<1152x128xf32, #tpu.memory_space<vmem>>, vector<1152x128xf32>
    tpu.vector_store %arg9[%swap3A_45, %swap3A_46], %min3A_44 {strides = array<i32>} : memref<1152x128xf32, #tpu.memory_space<vmem>>, vector<1152x128xf32>,
    %get3A_48 = arith.constant 0 : index
    %get3A_49 = arith.constant 0 : index
    %get3A_50 = vector.load %arg10[%get3A_48, %get3A_49] : memref<1152x128xf32, #tpu.memory_space<vmem>>, vector<1152x128xf32>
    %select_n3A_51 = arith.select %lt3A_43, %select_n3A_39, %get3A_50 : vector<1152x128xi1>, vector<1152x128xf32>
    %swap3A_52 = arith.constant 0 : index
    %swap3A_53 = arith.constant 0 : index
    %swap3A_54 = vector.load %arg10[%swap3A_52, %swap3A_53] : memref<1152x128xf32, #tpu.memory_space<vmem>>, vector<1152x128xf32>
    tpu.vector_store %arg10[%swap3A_52, %swap3A_53], %select_n3A_51 {strides = array<i32>} : memref<1152x128xf32, #tpu.memory_space<vmem>>, vector<1152x128xf32>,
    %get3A_55 = arith.constant 512 : index
    %get3A_56 = arith.constant 0 : index
    %get3A_57 = vector.load %arg6[%get3A_55, %get3A_56] : memref<8192x64xf32, #tpu.memory_space<vmem>>, vector<512x64xf32>
    %dot_general3A_58 = arith.constant dense<0.000000e+00> : vector<1152x512xf32>
    %dot_general3A_59 = tpu.matmul %add3A, %get3A_57, %dot_general3A_58 {dimension_numbers = #tpu.dot_dimension_numbers<[1], [1], [0], [0], [0, 0, 1, 0], [], []>, transpose_lhs_hint = false} : vector<1152x64xf32>, vector<512x64xf32>, vector<1152x512xf32> -> vector<1152x512xf32>
    %sub3A_60 = vector.broadcast %broadcast_in_dim3A : vector<1152x1xf32> to vector<1152x512xf32>
    %sub3A_61 = arith.subf %sub3A_60, %dot_general3A_59 : vector<1152x512xf32>
    %get3A_62 = arith.constant 0 : index
    %get3A_63 = arith.constant 512 : index
    %get3A_64 = vector.load %arg3[%get3A_62, %get3A_63] : memref<1x8192xf32, #tpu.memory_space<vmem>>, vector<1x512xf32>
    %add3A_65 = vector.broadcast %get3A_64 : vector<1x512xf32> to vector<1152x512xf32>
    %add3A_66 = arith.addf %sub3A_61, %add3A_65 : vector<1152x512xf32>
    %slice3A_67 = vector.extract_strided_slice %add3A_66 {offsets = [0, 0], sizes = [1152, 128], strides = [1, 1]} : vector<1152x512xf32> to vector<1152x128xf32>
    %slice3A_68 = vector.extract_strided_slice %add3A_66 {offsets = [0, 128], sizes = [1152, 128], strides = [1, 1]} : vector<1152x512xf32> to vector<1152x128xf32>
    %slice3A_69 = vector.extract_strided_slice %add3A_66 {offsets = [0, 256], sizes = [1152, 128], strides = [1, 1]} : vector<1152x512xf32> to vector<1152x128xf32>
    %slice3A_70 = vector.extract_strided_slice %add3A_66 {offsets = [0, 384], sizes = [1152, 128], strides = [1, 1]} : vector<1152x512xf32> to vector<1152x128xf32>
    %lt3A_71 = arith.cmpf olt, %slice3A_68, %slice3A_67 : vector<1152x128xf32>
    %min3A_72 = arith.minimumf %slice3A_68, %slice3A_67 : vector<1152x128xf32>
    %jit3A_73 = arith.constant 5.000000e+00 : f32
    %jit3A_74 = arith.constant 4.000000e+00 : f32
    %broadcast_in_dim3A_75 = vector.broadcast %jit3A_73 : f32 to vector<1152x128xf32>
    %broadcast_in_dim3A_76 = vector.broadcast %jit3A_74 : f32 to vector<1152x128xf32>
    %select_n3A_77 = arith.select %lt3A_71, %broadcast_in_dim3A_75, %broadcast_in_dim3A_76 : vector<1152x128xi1>, vector<1152x128xf32>
    %lt3A_78 = arith.cmpf olt, %slice3A_70, %slice3A_69 : vector<1152x128xf32>
    %min3A_79 = arith.minimumf %slice3A_70, %slice3A_69 : vector<1152x128xf32>
    %jit3A_80 = arith.constant 7.000000e+00 : f32
    %jit3A_81 = arith.constant 6.000000e+00 : f32
    %broadcast_in_dim3A_82 = vector.broadcast %jit3A_80 : f32 to vector<1152x128xf32>
    %broadcast_in_dim3A_83 = vector.broadcast %jit3A_81 : f32 to vector<1152x128xf32>
    %select_n3A_84 = arith.select %lt3A_78, %broadcast_in_dim3A_82, %broadcast_in_dim3A_83 : vector<1152x128xi1>, vector<1152x128xf32>
    %lt3A_85 = arith.cmpf olt, %min3A_79, %min3A_72 : vector<1152x128xf32>
    %min3A_86 = arith.minimumf %min3A_79, %min3A_72 : vector<1152x128xf32>
    %select_n3A_87 = arith.select %lt3A_85, %select_n3A_84, %select_n3A_77 : vector<1152x128xi1>, vector<1152x128xf32>
    %get3A_88 = arith.constant 0 : index
    %get3A_89 = arith.constant 0 : index
    %get3A_90 = vector.load %arg9[%get3A_88, %get3A_89] : memref<1152x128xf32, #tpu.memory_space<vmem>>, vector<1152x128xf32>
    %lt3A_91 = arith.cmpf olt, %min3A_86, %get3A_90 : vector<1152x128xf32>
    %min3A_92 = arith.minimumf %min3A_86, %get3A_90 : vector<1152x128xf32>
    %swap3A_93 = arith.constant 0 : index
    %swap3A_94 = arith.constant 0 : index
    %swap3A_95 = vector.load %arg9[%swap3A_93, %swap3A_94] : memref<1152x128xf32, #tpu.memory_space<vmem>>, vector<1152x128xf32>
    tpu.vector_store %arg9[%swap3A_93, %swap3A_94], %min3A_92 {strides = array<i32>} : memref<1152x128xf32, #tpu.memory_space<vmem>>, vector<1152x128xf32>,
    %get3A_96 = arith.constant 0 : index
    %get3A_97 = arith.constant 0 : index
    %get3A_98 = vector.load %arg10[%get3A_96, %get3A_97] : memref<1152x128xf32, #tpu.memory_space<vmem>>, vector<1152x128xf32>
    %select_n3A_99 = arith.select %lt3A_91, %select_n3A_87, %get3A_98 : vector<1152x128xi1>, vector<1152x128xf32>
    %swap3A_100 = arith.constant 0 : index
    %swap3A_101 = arith.constant 0 : index
    %swap3A_102 = vector.load %arg10[%swap3A_100, %swap3A_101] : memref<1152x128xf32, #tpu.memory_space<vmem>>, vector<1152x128xf32>
    tpu.vector_store %arg10[%swap3A_100, %swap3A_101], %select_n3A_99 {strides = array<i32>} : memref<1152x128xf32, #tpu.memory_space<vmem>>, vector<1152x128xf32>,
    %get3A_103 = arith.constant 1024 : index
    %get3A_104 = arith.constant 0 : index
    %get3A_105 = vector.load %arg6[%get3A_103, %get3A_104] : memref<8192x64xf32, #tpu.memory_space<vmem>>, vector<512x64xf32>
    %dot_general3A_106 = arith.constant dense<0.000000e+00> : vector<1152x512xf32>
    %dot_general3A_107 = tpu.matmul %add3A, %get3A_105, %dot_general3A_106 {dimension_numbers = #tpu.dot_dimension_numbers<[1], [1], [0], [0], [0, 0, 1, 0], [], []>, transpose_lhs_hint = false} : vector<1152x64xf32>, vector<512x64xf32>, vector<1152x512xf32> -> vector<1152x512xf32>
    %sub3A_108 = vector.broadcast %broadcast_in_dim3A : vector<1152x1xf32> to vector<1152x512xf32>
    %sub3A_109 = arith.subf %sub3A_108, %dot_general3A_107 : vector<1152x512xf32>
    %get3A_110 = arith.constant 0 : index
    %get3A_111 = arith.constant 1024 : index
    %get3A_112 = vector.load %arg3[%get3A_110, %get3A_111] : memref<1x8192xf32, #tpu.memory_space<vmem>>, vector<1x512xf32>
    %add3A_113 = vector.broadcast %get3A_112 : vector<1x512xf32> to vector<1152x512xf32>
    %add3A_114 = arith.addf %sub3A_109, %add3A_113 : vector<1152x512xf32>
    %slice3A_115 = vector.extract_strided_slice %add3A_114 {offsets = [0, 0], sizes = [1152, 128], strides = [1, 1]} : vector<1152x512xf32> to vector<1152x128xf32>
    %slice3A_116 = vector.extract_strided_slice %add3A_114 {offsets = [0, 128], sizes = [1152, 128], strides = [1, 1]} : vector<1152x512xf32> to vector<1152x128xf32>
    %slice3A_117 = vector.extract_strided_slice %add3A_114 {offsets = [0, 256], sizes = [1152, 128], strides = [1, 1]} : vector<1152x512xf32> to vector<1152x128xf32>
    %slice3A_118 = vector.extract_strided_slice %add3A_114 {offsets = [0, 384], sizes = [1152, 128], strides = [1, 1]} : vector<1152x512xf32> to vector<1152x128xf32>
    %lt3A_119 = arith.cmpf olt, %slice3A_116, %slice3A_115 : vector<1152x128xf32>
    %min3A_120 = arith.minimumf %slice3A_116, %slice3A_115 : vector<1152x128xf32>
    %jit3A_121 = arith.constant 9.000000e+00 : f32
    %jit3A_122 = arith.constant 8.000000e+00 : f32
    %broadcast_in_dim3A_123 = vector.broadcast %jit3A_121 : f32 to vector<1152x128xf32>
    %broadcast_in_dim3A_124 = vector.broadcast %jit3A_122 : f32 to vector<1152x128xf32>
    %select_n3A_125 = arith.select %lt3A_119, %broadcast_in_dim3A_123, %broadcast_in_dim3A_124 : vector<1152x128xi1>, vector<1152x128xf32>
    %lt3A_126 = arith.cmpf olt, %slice3A_118, %slice3A_117 : vector<1152x128xf32>
    %min3A_127 = arith.minimumf %slice3A_118, %slice3A_117 : vector<1152x128xf32>
    %jit3A_128 = arith.constant 1.100000e+01 : f32
    %jit3A_129 = arith.constant 1.000000e+01 : f32
    %broadcast_in_dim3A_130 = vector.broadcast %jit3A_128 : f32 to vector<1152x128xf32>
    %broadcast_in_dim3A_131 = vector.broadcast %jit3A_129 : f32 to vector<1152x128xf32>
    %select_n3A_132 = arith.select %lt3A_126, %broadcast_in_dim3A_130, %broadcast_in_dim3A_131 : vector<1152x128xi1>, vector<1152x128xf32>
    %lt3A_133 = arith.cmpf olt, %min3A_127, %min3A_120 : vector<1152x128xf32>
    %min3A_134 = arith.minimumf %min3A_127, %min3A_120 : vector<1152x128xf32>
    %select_n3A_135 = arith.select %lt3A_133, %select_n3A_132, %select_n3A_125 : vector<1152x128xi1>, vector<1152x128xf32>
    %get3A_136 = arith.constant 0 : index
    %get3A_137 = arith.constant 0 : index
    %get3A_138 = vector.load %arg9[%get3A_136, %get3A_137] : memref<1152x128xf32, #tpu.memory_space<vmem>>, vector<1152x128xf32>
    %lt3A_139 = arith.cmpf olt, %min3A_134, %get3A_138 : vector<1152x128xf32>
    %min3A_140 = arith.minimumf %min3A_134, %get3A_138 : vector<1152x128xf32>
    %swap3A_141 = arith.constant 0 : index
    %swap3A_142 = arith.constant 0 : index
    %swap3A_143 = vector.load %arg9[%swap3A_141, %swap3A_142] : memref<1152x128xf32, #tpu.memory_space<vmem>>, vector<1152x128xf32>
    tpu.vector_store %arg9[%swap3A_141, %swap3A_142], %min3A_140 {strides = array<i32>} : memref<1152x128xf32, #tpu.memory_space<vmem>>, vector<1152x128xf32>,
    %get3A_144 = arith.constant 0 : index
    %get3A_145 = arith.constant 0 : index
    %get3A_146 = vector.load %arg10[%get3A_144, %get3A_145] : memref<1152x128xf32, #tpu.memory_space<vmem>>, vector<1152x128xf32>
    %select_n3A_147 = arith.select %lt3A_139, %select_n3A_135, %get3A_146 : vector<1152x128xi1>, vector<1152x128xf32>
    %swap3A_148 = arith.constant 0 : index
    %swap3A_149 = arith.constant 0 : index
    %swap3A_150 = vector.load %arg10[%swap3A_148, %swap3A_149] : memref<1152x128xf32, #tpu.memory_space<vmem>>, vector<1152x128xf32>
    tpu.vector_store %arg10[%swap3A_148, %swap3A_149], %select_n3A_147 {strides = array<i32>} : memref<1152x128xf32, #tpu.memory_space<vmem>>, vector<1152x128xf32>,
    %get3A_151 = arith.constant 1536 : index
    %get3A_152 = arith.constant 0 : index
    %get3A_153 = vector.load %arg6[%get3A_151, %get3A_152] : memref<8192x64xf32, #tpu.memory_space<vmem>>, vector<512x64xf32>
    %dot_general3A_154 = arith.constant dense<0.000000e+00> : vector<1152x512xf32>
    %dot_general3A_155 = tpu.matmul %add3A, %get3A_153, %dot_general3A_154 {dimension_numbers = #tpu.dot_dimension_numbers<[1], [1], [0], [0], [0, 0, 1, 0], [], []>, transpose_lhs_hint = false} : vector<1152x64xf32>, vector<512x64xf32>, vector<1152x512xf32> -> vector<1152x512xf32>
    %sub3A_156 = vector.broadcast %broadcast_in_dim3A : vector<1152x1xf32> to vector<1152x512xf32>
    %sub3A_157 = arith.subf %sub3A_156, %dot_general3A_155 : vector<1152x512xf32>
    %get3A_158 = arith.constant 0 : index
    %get3A_159 = arith.constant 1536 : index
    %get3A_160 = vector.load %arg3[%get3A_158, %get3A_159] : memref<1x8192xf32, #tpu.memory_space<vmem>>, vector<1x512xf32>
    %add3A_161 = vector.broadcast %get3A_160 : vector<1x512xf32> to vector<1152x512xf32>
    %add3A_162 = arith.addf %sub3A_157, %add3A_161 : vector<1152x512xf32>
    %slice3A_163 = vector.extract_strided_slice %add3A_162 {offsets = [0, 0], sizes = [1152, 128], strides = [1, 1]} : vector<1152x512xf32> to vector<1152x128xf32>
    %slice3A_164 = vector.extract_strided_slice %add3A_162 {offsets = [0, 128], sizes = [1152, 128], strides = [1, 1]} : vector<1152x512xf32> to vector<1152x128xf32>
    %slice3A_165 = vector.extract_strided_slice %add3A_162 {offsets = [0, 256], sizes = [1152, 128], strides = [1, 1]} : vector<1152x512xf32> to vector<1152x128xf32>
    %slice3A_166 = vector.extract_strided_slice %add3A_162 {offsets = [0, 384], sizes = [1152, 128], strides = [1, 1]} : vector<1152x512xf32> to vector<1152x128xf32>
    %lt3A_167 = arith.cmpf olt, %slice3A_164, %slice3A_163 : vector<1152x128xf32>
    %min3A_168 = arith.minimumf %slice3A_164, %slice3A_163 : vector<1152x128xf32>
    %jit3A_169 = arith.constant 1.300000e+01 : f32
    %jit3A_170 = arith.constant 1.200000e+01 : f32
    %broadcast_in_dim3A_171 = vector.broadcast %jit3A_169 : f32 to vector<1152x128xf32>
    %broadcast_in_dim3A_172 = vector.broadcast %jit3A_170 : f32 to vector<1152x128xf32>
    %select_n3A_173 = arith.select %lt3A_167, %broadcast_in_dim3A_171, %broadcast_in_dim3A_172 : vector<1152x128xi1>, vector<1152x128xf32>
    %lt3A_174 = arith.cmpf olt, %slice3A_166, %slice3A_165 : vector<1152x128xf32>
    %min3A_175 = arith.minimumf %slice3A_166, %slice3A_165 : vector<1152x128xf32>
    %jit3A_176 = arith.constant 1.500000e+01 : f32
    %jit3A_177 = arith.constant 1.400000e+01 : f32
    %broadcast_in_dim3A_178 = vector.broadcast %jit3A_176 : f32 to vector<1152x128xf32>
    %broadcast_in_dim3A_179 = vector.broadcast %jit3A_177 : f32 to vector<1152x128xf32>
    %select_n3A_180 = arith.select %lt3A_174, %broadcast_in_dim3A_178, %broadcast_in_dim3A_179 : vector<1152x128xi1>, vector<1152x128xf32>
    %lt3A_181 = arith.cmpf olt, %min3A_175, %min3A_168 : vector<1152x128xf32>
    %min3A_182 = arith.minimumf %min3A_175, %min3A_168 : vector<1152x128xf32>
    %select_n3A_183 = arith.select %lt3A_181, %select_n3A_180, %select_n3A_173 : vector<1152x128xi1>, vector<1152x128xf32>
    %get3A_184 = arith.constant 0 : index
    %get3A_185 = arith.constant 0 : index
    %get3A_186 = vector.load %arg9[%get3A_184, %get3A_185] : memref<1152x128xf32, #tpu.memory_space<vmem>>, vector<1152x128xf32>
    %lt3A_187 = arith.cmpf olt, %min3A_182, %get3A_186 : vector<1152x128xf32>
    %min3A_188 = arith.minimumf %min3A_182, %get3A_186 : vector<1152x128xf32>
    %swap3A_189 = arith.constant 0 : index
    %swap3A_190 = arith.constant 0 : index
    %swap3A_191 = vector.load %arg9[%swap3A_189, %swap3A_190] : memref<1152x128xf32, #tpu.memory_space<vmem>>, vector<1152x128xf32>
    tpu.vector_store %arg9[%swap3A_189, %swap3A_190], %min3A_188 {strides = array<i32>} : memref<1152x128xf32, #tpu.memory_space<vmem>>, vector<1152x128xf32>,
    %get3A_192 = arith.constant 0 : index
    %get3A_193 = arith.constant 0 : index
    %get3A_194 = vector.load %arg10[%get3A_192, %get3A_193] : memref<1152x128xf32, #tpu.memory_space<vmem>>, vector<1152x128xf32>
    %select_n3A_195 = arith.select %lt3A_187, %select_n3A_183, %get3A_194 : vector<1152x128xi1>, vector<1152x128xf32>
    %swap3A_196 = arith.constant 0 : index
    %swap3A_197 = arith.constant 0 : index
    %swap3A_198 = vector.load %arg10[%swap3A_196, %swap3A_197] : memref<1152x128xf32, #tpu.memory_space<vmem>>, vector<1152x128xf32>
    tpu.vector_store %arg10[%swap3A_196, %swap3A_197], %select_n3A_195 {strides = array<i32>} : memref<1152x128xf32, #tpu.memory_space<vmem>>, vector<1152x128xf32>,
    %get3A_199 = arith.constant 2048 : index
    %get3A_200 = arith.constant 0 : index
    %get3A_201 = vector.load %arg6[%get3A_199, %get3A_200] : memref<8192x64xf32, #tpu.memory_space<vmem>>, vector<512x64xf32>
    %dot_general3A_202 = arith.constant dense<0.000000e+00> : vector<1152x512xf32>
    %dot_general3A_203 = tpu.matmul %add3A, %get3A_201, %dot_general3A_202 {dimension_numbers = #tpu.dot_dimension_numbers<[1], [1], [0], [0], [0, 0, 1, 0], [], []>, transpose_lhs_hint = false} : vector<1152x64xf32>, vector<512x64xf32>, vector<1152x512xf32> -> vector<1152x512xf32>
    %sub3A_204 = vector.broadcast %broadcast_in_dim3A : vector<1152x1xf32> to vector<1152x512xf32>
    %sub3A_205 = arith.subf %sub3A_204, %dot_general3A_203 : vector<1152x512xf32>
    %get3A_206 = arith.constant 0 : index
    %get3A_207 = arith.constant 2048 : index
    %get3A_208 = vector.load %arg3[%get3A_206, %get3A_207] : memref<1x8192xf32, #tpu.memory_space<vmem>>, vector<1x512xf32>
    %add3A_209 = vector.broadcast %get3A_208 : vector<1x512xf32> to vector<1152x512xf32>
    %add3A_210 = arith.addf %sub3A_205, %add3A_209 : vector<1152x512xf32>
    %slice3A_211 = vector.extract_strided_slice %add3A_210 {offsets = [0, 0], sizes = [1152, 128], strides = [1, 1]} : vector<1152x512xf32> to vector<1152x128xf32>
    %slice3A_212 = vector.extract_strided_slice %add3A_210 {offsets = [0, 128], sizes = [1152, 128], strides = [1, 1]} : vector<1152x512xf32> to vector<1152x128xf32>
    %slice3A_213 = vector.extract_strided_slice %add3A_210 {offsets = [0, 256], sizes = [1152, 128], strides = [1, 1]} : vector<1152x512xf32> to vector<1152x128xf32>
    %slice3A_214 = vector.extract_strided_slice %add3A_210 {offsets = [0, 384], sizes = [1152, 128], strides = [1, 1]} : vector<1152x512xf32> to vector<1152x128xf32>
    %lt3A_215 = arith.cmpf olt, %slice3A_212, %slice3A_211 : vector<1152x128xf32>
    %min3A_216 = arith.minimumf %slice3A_212, %slice3A_211 : vector<1152x128xf32>
    %jit3A_217 = arith.constant 1.700000e+01 : f32
    %jit3A_218 = arith.constant 1.600000e+01 : f32
    %broadcast_in_dim3A_219 = vector.broadcast %jit3A_217 : f32 to vector<1152x128xf32>
    %broadcast_in_dim3A_220 = vector.broadcast %jit3A_218 : f32 to vector<1152x128xf32>
    %select_n3A_221 = arith.select %lt3A_215, %broadcast_in_dim3A_219, %broadcast_in_dim3A_220 : vector<1152x128xi1>, vector<1152x128xf32>
    %lt3A_222 = arith.cmpf olt, %slice3A_214, %slice3A_213 : vector<1152x128xf32>
    %min3A_223 = arith.minimumf %slice3A_214, %slice3A_213 : vector<1152x128xf32>
    %jit3A_224 = arith.constant 1.900000e+01 : f32
    %jit3A_225 = arith.constant 1.800000e+01 : f32
    %broadcast_in_dim3A_226 = vector.broadcast %jit3A_224 : f32 to vector<1152x128xf32>
    %broadcast_in_dim3A_227 = vector.broadcast %jit3A_225 : f32 to vector<1152x128xf32>
    %select_n3A_228 = arith.select %lt3A_222, %broadcast_in_dim3A_226, %broadcast_in_dim3A_227 : vector<1152x128xi1>, vector<1152x128xf32>
    %lt3A_229 = arith.cmpf olt, %min3A_223, %min3A_216 : vector<1152x128xf32>
    %min3A_230 = arith.minimumf %min3A_223, %min3A_216 : vector<1152x128xf32>
    %select_n3A_231 = arith.select %lt3A_229, %select_n3A_228, %select_n3A_221 : vector<1152x128xi1>, vector<1152x128xf32>
    %get3A_232 = arith.constant 0 : index
    %get3A_233 = arith.constant 0 : index
    %get3A_234 = vector.load %arg9[%get3A_232, %get3A_233] : memref<1152x128xf32, #tpu.memory_space<vmem>>, vector<1152x128xf32>
    %lt3A_235 = arith.cmpf olt, %min3A_230, %get3A_234 : vector<1152x128xf32>
    %min3A_236 = arith.minimumf %min3A_230, %get3A_234 : vector<1152x128xf32>
    %swap3A_237 = arith.constant 0 : index
    %swap3A_238 = arith.constant 0 : index
    %swap3A_239 = vector.load %arg9[%swap3A_237, %swap3A_238] : memref<1152x128xf32, #tpu.memory_space<vmem>>, vector<1152x128xf32>
    tpu.vector_store %arg9[%swap3A_237, %swap3A_238], %min3A_236 {strides = array<i32>} : memref<1152x128xf32, #tpu.memory_space<vmem>>, vector<1152x128xf32>,
    %get3A_240 = arith.constant 0 : index
    %get3A_241 = arith.constant 0 : index
    %get3A_242 = vector.load %arg10[%get3A_240, %get3A_241] : memref<1152x128xf32, #tpu.memory_space<vmem>>, vector<1152x128xf32>
    %select_n3A_243 = arith.select %lt3A_235, %select_n3A_231, %get3A_242 : vector<1152x128xi1>, vector<1152x128xf32>
    %swap3A_244 = arith.constant 0 : index
    %swap3A_245 = arith.constant 0 : index
    %swap3A_246 = vector.load %arg10[%swap3A_244, %swap3A_245] : memref<1152x128xf32, #tpu.memory_space<vmem>>, vector<1152x128xf32>
    tpu.vector_store %arg10[%swap3A_244, %swap3A_245], %select_n3A_243 {strides = array<i32>} : memref<1152x128xf32, #tpu.memory_space<vmem>>, vector<1152x128xf32>,
    %get3A_247 = arith.constant 2560 : index
    %get3A_248 = arith.constant 0 : index
    %get3A_249 = vector.load %arg6[%get3A_247, %get3A_248] : memref<8192x64xf32, #tpu.memory_space<vmem>>, vector<512x64xf32>
    %dot_general3A_250 = arith.constant dense<0.000000e+00> : vector<1152x512xf32>
    %dot_general3A_251 = tpu.matmul %add3A, %get3A_249, %dot_general3A_250 {dimension_numbers = #tpu.dot_dimension_numbers<[1], [1], [0], [0], [0, 0, 1, 0], [], []>, transpose_lhs_hint = false} : vector<1152x64xf32>, vector<512x64xf32>, vector<1152x512xf32> -> vector<1152x512xf32>
    %sub3A_252 = vector.broadcast %broadcast_in_dim3A : vector<1152x1xf32> to vector<1152x512xf32>
    %sub3A_253 = arith.subf %sub3A_252, %dot_general3A_251 : vector<1152x512xf32>
    %get3A_254 = arith.constant 0 : index
    %get3A_255 = arith.constant 2560 : index
    %get3A_256 = vector.load %arg3[%get3A_254, %get3A_255] : memref<1x8192xf32, #tpu.memory_space<vmem>>, vector<1x512xf32>
    %add3A_257 = vector.broadcast %get3A_256 : vector<1x512xf32> to vector<1152x512xf32>
    %add3A_258 = arith.addf %sub3A_253, %add3A_257 : vector<1152x512xf32>
    %slice3A_259 = vector.extract_strided_slice %add3A_258 {offsets = [0, 0], sizes = [1152, 128], strides = [1, 1]} : vector<1152x512xf32> to vector<1152x128xf32>
    %slice3A_260 = vector.extract_strided_slice %add3A_258 {offsets = [0, 128], sizes = [1152, 128], strides = [1, 1]} : vector<1152x512xf32> to vector<1152x128xf32>
    %slice3A_261 = vector.extract_strided_slice %add3A_258 {offsets = [0, 256], sizes = [1152, 128], strides = [1, 1]} : vector<1152x512xf32> to vector<1152x128xf32>
    %slice3A_262 = vector.extract_strided_slice %add3A_258 {offsets = [0, 384], sizes = [1152, 128], strides = [1, 1]} : vector<1152x512xf32> to vector<1152x128xf32>
    %lt3A_263 = arith.cmpf olt, %slice3A_260, %slice3A_259 : vector<1152x128xf32>
    %min3A_264 = arith.minimumf %slice3A_260, %slice3A_259 : vector<1152x128xf32>
    %jit3A_265 = arith.constant 2.100000e+01 : f32
    %jit3A_266 = arith.constant 2.000000e+01 : f32
    %broadcast_in_dim3A_267 = vector.broadcast %jit3A_265 : f32 to vector<1152x128xf32>
    %broadcast_in_dim3A_268 = vector.broadcast %jit3A_266 : f32 to vector<1152x128xf32>
    %select_n3A_269 = arith.select %lt3A_263, %broadcast_in_dim3A_267, %broadcast_in_dim3A_268 : vector<1152x128xi1>, vector<1152x128xf32>
    %lt3A_270 = arith.cmpf olt, %slice3A_262, %slice3A_261 : vector<1152x128xf32>
    %min3A_271 = arith.minimumf %slice3A_262, %slice3A_261 : vector<1152x128xf32>
    %jit3A_272 = arith.constant 2.300000e+01 : f32
    %jit3A_273 = arith.constant 2.200000e+01 : f32
    %broadcast_in_dim3A_274 = vector.broadcast %jit3A_272 : f32 to vector<1152x128xf32>
    %broadcast_in_dim3A_275 = vector.broadcast %jit3A_273 : f32 to vector<1152x128xf32>
    %select_n3A_276 = arith.select %lt3A_270, %broadcast_in_dim3A_274, %broadcast_in_dim3A_275 : vector<1152x128xi1>, vector<1152x128xf32>
    %lt3A_277 = arith.cmpf olt, %min3A_271, %min3A_264 : vector<1152x128xf32>
    %min3A_278 = arith.minimumf %min3A_271, %min3A_264 : vector<1152x128xf32>
    %select_n3A_279 = arith.select %lt3A_277, %select_n3A_276, %select_n3A_269 : vector<1152x128xi1>, vector<1152x128xf32>
    %get3A_280 = arith.constant 0 : index
    %get3A_281 = arith.constant 0 : index
    %get3A_282 = vector.load %arg9[%get3A_280, %get3A_281] : memref<1152x128xf32, #tpu.memory_space<vmem>>, vector<1152x128xf32>
    %lt3A_283 = arith.cmpf olt, %min3A_278, %get3A_282 : vector<1152x128xf32>
    %min3A_284 = arith.minimumf %min3A_278, %get3A_282 : vector<1152x128xf32>
    %swap3A_285 = arith.constant 0 : index
    %swap3A_286 = arith.constant 0 : index
    %swap3A_287 = vector.load %arg9[%swap3A_285, %swap3A_286] : memref<1152x128xf32, #tpu.memory_space<vmem>>, vector<1152x128xf32>
    tpu.vector_store %arg9[%swap3A_285, %swap3A_286], %min3A_284 {strides = array<i32>} : memref<1152x128xf32, #tpu.memory_space<vmem>>, vector<1152x128xf32>,
    %get3A_288 = arith.constant 0 : index
    %get3A_289 = arith.constant 0 : index
    %get3A_290 = vector.load %arg10[%get3A_288, %get3A_289] : memref<1152x128xf32, #tpu.memory_space<vmem>>, vector<1152x128xf32>
    %select_n3A_291 = arith.select %lt3A_283, %select_n3A_279, %get3A_290 : vector<1152x128xi1>, vector<1152x128xf32>
    %swap3A_292 = arith.constant 0 : index
    %swap3A_293 = arith.constant 0 : index
    %swap3A_294 = vector.load %arg10[%swap3A_292, %swap3A_293] : memref<1152x128xf32, #tpu.memory_space<vmem>>, vector<1152x128xf32>
    tpu.vector_store %arg10[%swap3A_292, %swap3A_293], %select_n3A_291 {strides = array<i32>} : memref<1152x128xf32, #tpu.memory_space<vmem>>, vector<1152x128xf32>,
    %get3A_295 = arith.constant 3072 : index
    %get3A_296 = arith.constant 0 : index
    %get3A_297 = vector.load %arg6[%get3A_295, %get3A_296] : memref<8192x64xf32, #tpu.memory_space<vmem>>, vector<512x64xf32>
    %dot_general3A_298 = arith.constant dense<0.000000e+00> : vector<1152x512xf32>
    %dot_general3A_299 = tpu.matmul %add3A, %get3A_297, %dot_general3A_298 {dimension_numbers = #tpu.dot_dimension_numbers<[1], [1], [0], [0], [0, 0, 1, 0], [], []>, transpose_lhs_hint = false} : vector<1152x64xf32>, vector<512x64xf32>, vector<1152x512xf32> -> vector<1152x512xf32>
    %sub3A_300 = vector.broadcast %broadcast_in_dim3A : vector<1152x1xf32> to vector<1152x512xf32>
    %sub3A_301 = arith.subf %sub3A_300, %dot_general3A_299 : vector<1152x512xf32>
    %get3A_302 = arith.constant 0 : index
    %get3A_303 = arith.constant 3072 : index
    %get3A_304 = vector.load %arg3[%get3A_302, %get3A_303] : memref<1x8192xf32, #tpu.memory_space<vmem>>, vector<1x512xf32>
    %add3A_305 = vector.broadcast %get3A_304 : vector<1x512xf32> to vector<1152x512xf32>
    %add3A_306 = arith.addf %sub3A_301, %add3A_305 : vector<1152x512xf32>
    %slice3A_307 = vector.extract_strided_slice %add3A_306 {offsets = [0, 0], sizes = [1152, 128], strides = [1, 1]} : vector<1152x512xf32> to vector<1152x128xf32>
    %slice3A_308 = vector.extract_strided_slice %add3A_306 {offsets = [0, 128], sizes = [1152, 128], strides = [1, 1]} : vector<1152x512xf32> to vector<1152x128xf32>
    %slice3A_309 = vector.extract_strided_slice %add3A_306 {offsets = [0, 256], sizes = [1152, 128], strides = [1, 1]} : vector<1152x512xf32> to vector<1152x128xf32>
    %slice3A_310 = vector.extract_strided_slice %add3A_306 {offsets = [0, 384], sizes = [1152, 128], strides = [1, 1]} : vector<1152x512xf32> to vector<1152x128xf32>
    %lt3A_311 = arith.cmpf olt, %slice3A_308, %slice3A_307 : vector<1152x128xf32>
    %min3A_312 = arith.minimumf %slice3A_308, %slice3A_307 : vector<1152x128xf32>
    %jit3A_313 = arith.constant 2.500000e+01 : f32
    %jit3A_314 = arith.constant 2.400000e+01 : f32
    %broadcast_in_dim3A_315 = vector.broadcast %jit3A_313 : f32 to vector<1152x128xf32>
    %broadcast_in_dim3A_316 = vector.broadcast %jit3A_314 : f32 to vector<1152x128xf32>
    %select_n3A_317 = arith.select %lt3A_311, %broadcast_in_dim3A_315, %broadcast_in_dim3A_316 : vector<1152x128xi1>, vector<1152x128xf32>
    %lt3A_318 = arith.cmpf olt, %slice3A_310, %slice3A_309 : vector<1152x128xf32>
    %min3A_319 = arith.minimumf %slice3A_310, %slice3A_309 : vector<1152x128xf32>
    %jit3A_320 = arith.constant 2.700000e+01 : f32
    %jit3A_321 = arith.constant 2.600000e+01 : f32
    %broadcast_in_dim3A_322 = vector.broadcast %jit3A_320 : f32 to vector<1152x128xf32>
    %broadcast_in_dim3A_323 = vector.broadcast %jit3A_321 : f32 to vector<1152x128xf32>
    %select_n3A_324 = arith.select %lt3A_318, %broadcast_in_dim3A_322, %broadcast_in_dim3A_323 : vector<1152x128xi1>, vector<1152x128xf32>
    %lt3A_325 = arith.cmpf olt, %min3A_319, %min3A_312 : vector<1152x128xf32>
    %min3A_326 = arith.minimumf %min3A_319, %min3A_312 : vector<1152x128xf32>
    %select_n3A_327 = arith.select %lt3A_325, %select_n3A_324, %select_n3A_317 : vector<1152x128xi1>, vector<1152x128xf32>
    %get3A_328 = arith.constant 0 : index
    %get3A_329 = arith.constant 0 : index
    %get3A_330 = vector.load %arg9[%get3A_328, %get3A_329] : memref<1152x128xf32, #tpu.memory_space<vmem>>, vector<1152x128xf32>
    %lt3A_331 = arith.cmpf olt, %min3A_326, %get3A_330 : vector<1152x128xf32>
    %min3A_332 = arith.minimumf %min3A_326, %get3A_330 : vector<1152x128xf32>
    %swap3A_333 = arith.constant 0 : index
    %swap3A_334 = arith.constant 0 : index
    %swap3A_335 = vector.load %arg9[%swap3A_333, %swap3A_334] : memref<1152x128xf32, #tpu.memory_space<vmem>>, vector<1152x128xf32>
    tpu.vector_store %arg9[%swap3A_333, %swap3A_334], %min3A_332 {strides = array<i32>} : memref<1152x128xf32, #tpu.memory_space<vmem>>, vector<1152x128xf32>,
    %get3A_336 = arith.constant 0 : index
    %get3A_337 = arith.constant 0 : index
    %get3A_338 = vector.load %arg10[%get3A_336, %get3A_337] : memref<1152x128xf32, #tpu.memory_space<vmem>>, vector<1152x128xf32>
    %select_n3A_339 = arith.select %lt3A_331, %select_n3A_327, %get3A_338 : vector<1152x128xi1>, vector<1152x128xf32>
    %swap3A_340 = arith.constant 0 : index
    %swap3A_341 = arith.constant 0 : index
    %swap3A_342 = vector.load %arg10[%swap3A_340, %swap3A_341] : memref<1152x128xf32, #tpu.memory_space<vmem>>, vector<1152x128xf32>
    tpu.vector_store %arg10[%swap3A_340, %swap3A_341], %select_n3A_339 {strides = array<i32>} : memref<1152x128xf32, #tpu.memory_space<vmem>>, vector<1152x128xf32>,
    %get3A_343 = arith.constant 3584 : index
    %get3A_344 = arith.constant 0 : index
    %get3A_345 = vector.load %arg6[%get3A_343, %get3A_344] : memref<8192x64xf32, #tpu.memory_space<vmem>>, vector<512x64xf32>
    %dot_general3A_346 = arith.constant dense<0.000000e+00> : vector<1152x512xf32>
    %dot_general3A_347 = tpu.matmul %add3A, %get3A_345, %dot_general3A_346 {dimension_numbers = #tpu.dot_dimension_numbers<[1], [1], [0], [0], [0, 0, 1, 0], [], []>, transpose_lhs_hint = false} : vector<1152x64xf32>, vector<512x64xf32>, vector<1152x512xf32> -> vector<1152x512xf32>
    %sub3A_348 = vector.broadcast %broadcast_in_dim3A : vector<1152x1xf32> to vector<1152x512xf32>
    %sub3A_349 = arith.subf %sub3A_348, %dot_general3A_347 : vector<1152x512xf32>
    %get3A_350 = arith.constant 0 : index
    %get3A_351 = arith.constant 3584 : index
    %get3A_352 = vector.load %arg3[%get3A_350, %get3A_351] : memref<1x8192xf32, #tpu.memory_space<vmem>>, vector<1x512xf32>
    %add3A_353 = vector.broadcast %get3A_352 : vector<1x512xf32> to vector<1152x512xf32>
    %add3A_354 = arith.addf %sub3A_349, %add3A_353 : vector<1152x512xf32>
    %slice3A_355 = vector.extract_strided_slice %add3A_354 {offsets = [0, 0], sizes = [1152, 128], strides = [1, 1]} : vector<1152x512xf32> to vector<1152x128xf32>
    %slice3A_356 = vector.extract_strided_slice %add3A_354 {offsets = [0, 128], sizes = [1152, 128], strides = [1, 1]} : vector<1152x512xf32> to vector<1152x128xf32>
    %slice3A_357 = vector.extract_strided_slice %add3A_354 {offsets = [0, 256], sizes = [1152, 128], strides = [1, 1]} : vector<1152x512xf32> to vector<1152x128xf32>
    %slice3A_358 = vector.extract_strided_slice %add3A_354 {offsets = [0, 384], sizes = [1152, 128], strides = [1, 1]} : vector<1152x512xf32> to vector<1152x128xf32>
    %lt3A_359 = arith.cmpf olt, %slice3A_356, %slice3A_355 : vector<1152x128xf32>
    %min3A_360 = arith.minimumf %slice3A_356, %slice3A_355 : vector<1152x128xf32>
    %jit3A_361 = arith.constant 2.900000e+01 : f32
    %jit3A_362 = arith.constant 2.800000e+01 : f32
    %broadcast_in_dim3A_363 = vector.broadcast %jit3A_361 : f32 to vector<1152x128xf32>
    %broadcast_in_dim3A_364 = vector.broadcast %jit3A_362 : f32 to vector<1152x128xf32>
    %select_n3A_365 = arith.select %lt3A_359, %broadcast_in_dim3A_363, %broadcast_in_dim3A_364 : vector<1152x128xi1>, vector<1152x128xf32>
    %lt3A_366 = arith.cmpf olt, %slice3A_358, %slice3A_357 : vector<1152x128xf32>
    %min3A_367 = arith.minimumf %slice3A_358, %slice3A_357 : vector<1152x128xf32>
    %jit3A_368 = arith.constant 3.100000e+01 : f32
    %jit3A_369 = arith.constant 3.000000e+01 : f32
    %broadcast_in_dim3A_370 = vector.broadcast %jit3A_368 : f32 to vector<1152x128xf32>
    %broadcast_in_dim3A_371 = vector.broadcast %jit3A_369 : f32 to vector<1152x128xf32>
    %select_n3A_372 = arith.select %lt3A_366, %broadcast_in_dim3A_370, %broadcast_in_dim3A_371 : vector<1152x128xi1>, vector<1152x128xf32>
    %lt3A_373 = arith.cmpf olt, %min3A_367, %min3A_360 : vector<1152x128xf32>
    %min3A_374 = arith.minimumf %min3A_367, %min3A_360 : vector<1152x128xf32>
    %select_n3A_375 = arith.select %lt3A_373, %select_n3A_372, %select_n3A_365 : vector<1152x128xi1>, vector<1152x128xf32>
    %get3A_376 = arith.constant 0 : index
    %get3A_377 = arith.constant 0 : index
    %get3A_378 = vector.load %arg9[%get3A_376, %get3A_377] : memref<1152x128xf32, #tpu.memory_space<vmem>>, vector<1152x128xf32>
    %lt3A_379 = arith.cmpf olt, %min3A_374, %get3A_378 : vector<1152x128xf32>
    %min3A_380 = arith.minimumf %min3A_374, %get3A_378 : vector<1152x128xf32>
    %swap3A_381 = arith.constant 0 : index
    %swap3A_382 = arith.constant 0 : index
    %swap3A_383 = vector.load %arg9[%swap3A_381, %swap3A_382] : memref<1152x128xf32, #tpu.memory_space<vmem>>, vector<1152x128xf32>
    tpu.vector_store %arg9[%swap3A_381, %swap3A_382], %min3A_380 {strides = array<i32>} : memref<1152x128xf32, #tpu.memory_space<vmem>>, vector<1152x128xf32>,
    %get3A_384 = arith.constant 0 : index
    %get3A_385 = arith.constant 0 : index
    %get3A_386 = vector.load %arg10[%get3A_384, %get3A_385] : memref<1152x128xf32, #tpu.memory_space<vmem>>, vector<1152x128xf32>
    %select_n3A_387 = arith.select %lt3A_379, %select_n3A_375, %get3A_386 : vector<1152x128xi1>, vector<1152x128xf32>
    %swap3A_388 = arith.constant 0 : index
    %swap3A_389 = arith.constant 0 : index
    %swap3A_390 = vector.load %arg10[%swap3A_388, %swap3A_389] : memref<1152x128xf32, #tpu.memory_space<vmem>>, vector<1152x128xf32>
    tpu.vector_store %arg10[%swap3A_388, %swap3A_389], %select_n3A_387 {strides = array<i32>} : memref<1152x128xf32, #tpu.memory_space<vmem>>, vector<1152x128xf32>,
    %get3A_391 = arith.constant 4096 : index
    %get3A_392 = arith.constant 0 : index
    %get3A_393 = vector.load %arg6[%get3A_391, %get3A_392] : memref<8192x64xf32, #tpu.memory_space<vmem>>, vector<512x64xf32>
    %dot_general3A_394 = arith.constant dense<0.000000e+00> : vector<1152x512xf32>
    %dot_general3A_395 = tpu.matmul %add3A, %get3A_393, %dot_general3A_394 {dimension_numbers = #tpu.dot_dimension_numbers<[1], [1], [0], [0], [0, 0, 1, 0], [], []>, transpose_lhs_hint = false} : vector<1152x64xf32>, vector<512x64xf32>, vector<1152x512xf32> -> vector<1152x512xf32>
    %sub3A_396 = vector.broadcast %broadcast_in_dim3A : vector<1152x1xf32> to vector<1152x512xf32>
    %sub3A_397 = arith.subf %sub3A_396, %dot_general3A_395 : vector<1152x512xf32>
    %get3A_398 = arith.constant 0 : index
    %get3A_399 = arith.constant 4096 : index
    %get3A_400 = vector.load %arg3[%get3A_398, %get3A_399] : memref<1x8192xf32, #tpu.memory_space<vmem>>, vector<1x512xf32>
    %add3A_401 = vector.broadcast %get3A_400 : vector<1x512xf32> to vector<1152x512xf32>
    %add3A_402 = arith.addf %sub3A_397, %add3A_401 : vector<1152x512xf32>
    %slice3A_403 = vector.extract_strided_slice %add3A_402 {offsets = [0, 0], sizes = [1152, 128], strides = [1, 1]} : vector<1152x512xf32> to vector<1152x128xf32>
    %slice3A_404 = vector.extract_strided_slice %add3A_402 {offsets = [0, 128], sizes = [1152, 128], strides = [1, 1]} : vector<1152x512xf32> to vector<1152x128xf32>
    %slice3A_405 = vector.extract_strided_slice %add3A_402 {offsets = [0, 256], sizes = [1152, 128], strides = [1, 1]} : vector<1152x512xf32> to vector<1152x128xf32>
    %slice3A_406 = vector.extract_strided_slice %add3A_402 {offsets = [0, 384], sizes = [1152, 128], strides = [1, 1]} : vector<1152x512xf32> to vector<1152x128xf32>
    %lt3A_407 = arith.cmpf olt, %slice3A_404, %slice3A_403 : vector<1152x128xf32>
    %min3A_408 = arith.minimumf %slice3A_404, %slice3A_403 : vector<1152x128xf32>
    %jit3A_409 = arith.constant 3.300000e+01 : f32
    %jit3A_410 = arith.constant 3.200000e+01 : f32
    %broadcast_in_dim3A_411 = vector.broadcast %jit3A_409 : f32 to vector<1152x128xf32>
    %broadcast_in_dim3A_412 = vector.broadcast %jit3A_410 : f32 to vector<1152x128xf32>
    %select_n3A_413 = arith.select %lt3A_407, %broadcast_in_dim3A_411, %broadcast_in_dim3A_412 : vector<1152x128xi1>, vector<1152x128xf32>
    %lt3A_414 = arith.cmpf olt, %slice3A_406, %slice3A_405 : vector<1152x128xf32>
    %min3A_415 = arith.minimumf %slice3A_406, %slice3A_405 : vector<1152x128xf32>
    %jit3A_416 = arith.constant 3.500000e+01 : f32
    %jit3A_417 = arith.constant 3.400000e+01 : f32
    %broadcast_in_dim3A_418 = vector.broadcast %jit3A_416 : f32 to vector<1152x128xf32>
    %broadcast_in_dim3A_419 = vector.broadcast %jit3A_417 : f32 to vector<1152x128xf32>
    %select_n3A_420 = arith.select %lt3A_414, %broadcast_in_dim3A_418, %broadcast_in_dim3A_419 : vector<1152x128xi1>, vector<1152x128xf32>
    %lt3A_421 = arith.cmpf olt, %min3A_415, %min3A_408 : vector<1152x128xf32>
    %min3A_422 = arith.minimumf %min3A_415, %min3A_408 : vector<1152x128xf32>
    %select_n3A_423 = arith.select %lt3A_421, %select_n3A_420, %select_n3A_413 : vector<1152x128xi1>, vector<1152x128xf32>
    %get3A_424 = arith.constant 0 : index
    %get3A_425 = arith.constant 0 : index
    %get3A_426 = vector.load %arg9[%get3A_424, %get3A_425] : memref<1152x128xf32, #tpu.memory_space<vmem>>, vector<1152x128xf32>
    %lt3A_427 = arith.cmpf olt, %min3A_422, %get3A_426 : vector<1152x128xf32>
    %min3A_428 = arith.minimumf %min3A_422, %get3A_426 : vector<1152x128xf32>
    %swap3A_429 = arith.constant 0 : index
    %swap3A_430 = arith.constant 0 : index
    %swap3A_431 = vector.load %arg9[%swap3A_429, %swap3A_430] : memref<1152x128xf32, #tpu.memory_space<vmem>>, vector<1152x128xf32>
    tpu.vector_store %arg9[%swap3A_429, %swap3A_430], %min3A_428 {strides = array<i32>} : memref<1152x128xf32, #tpu.memory_space<vmem>>, vector<1152x128xf32>,
    %get3A_432 = arith.constant 0 : index
    %get3A_433 = arith.constant 0 : index
    %get3A_434 = vector.load %arg10[%get3A_432, %get3A_433] : memref<1152x128xf32, #tpu.memory_space<vmem>>, vector<1152x128xf32>
    %select_n3A_435 = arith.select %lt3A_427, %select_n3A_423, %get3A_434 : vector<1152x128xi1>, vector<1152x128xf32>
    %swap3A_436 = arith.constant 0 : index
    %swap3A_437 = arith.constant 0 : index
    %swap3A_438 = vector.load %arg10[%swap3A_436, %swap3A_437] : memref<1152x128xf32, #tpu.memory_space<vmem>>, vector<1152x128xf32>
    tpu.vector_store %arg10[%swap3A_436, %swap3A_437], %select_n3A_435 {strides = array<i32>} : memref<1152x128xf32, #tpu.memory_space<vmem>>, vector<1152x128xf32>,
    %get3A_439 = arith.constant 4608 : index
    %get3A_440 = arith.constant 0 : index
    %get3A_441 = vector.load %arg6[%get3A_439, %get3A_440] : memref<8192x64xf32, #tpu.memory_space<vmem>>, vector<512x64xf32>
    %dot_general3A_442 = arith.constant dense<0.000000e+00> : vector<1152x512xf32>
    %dot_general3A_443 = tpu.matmul %add3A, %get3A_441, %dot_general3A_442 {dimension_numbers = #tpu.dot_dimension_numbers<[1], [1], [0], [0], [0, 0, 1, 0], [], []>, transpose_lhs_hint = false} : vector<1152x64xf32>, vector<512x64xf32>, vector<1152x512xf32> -> vector<1152x512xf32>
    %sub3A_444 = vector.broadcast %broadcast_in_dim3A : vector<1152x1xf32> to vector<1152x512xf32>
    %sub3A_445 = arith.subf %sub3A_444, %dot_general3A_443 : vector<1152x512xf32>
    %get3A_446 = arith.constant 0 : index
    %get3A_447 = arith.constant 4608 : index
    %get3A_448 = vector.load %arg3[%get3A_446, %get3A_447] : memref<1x8192xf32, #tpu.memory_space<vmem>>, vector<1x512xf32>
    %add3A_449 = vector.broadcast %get3A_448 : vector<1x512xf32> to vector<1152x512xf32>
    %add3A_450 = arith.addf %sub3A_445, %add3A_449 : vector<1152x512xf32>
    %slice3A_451 = vector.extract_strided_slice %add3A_450 {offsets = [0, 0], sizes = [1152, 128], strides = [1, 1]} : vector<1152x512xf32> to vector<1152x128xf32>
    %slice3A_452 = vector.extract_strided_slice %add3A_450 {offsets = [0, 128], sizes = [1152, 128], strides = [1, 1]} : vector<1152x512xf32> to vector<1152x128xf32>
    %slice3A_453 = vector.extract_strided_slice %add3A_450 {offsets = [0, 256], sizes = [1152, 128], strides = [1, 1]} : vector<1152x512xf32> to vector<1152x128xf32>
    %slice3A_454 = vector.extract_strided_slice %add3A_450 {offsets = [0, 384], sizes = [1152, 128], strides = [1, 1]} : vector<1152x512xf32> to vector<1152x128xf32>
    %lt3A_455 = arith.cmpf olt, %slice3A_452, %slice3A_451 : vector<1152x128xf32>
    %min3A_456 = arith.minimumf %slice3A_452, %slice3A_451 : vector<1152x128xf32>
    %jit3A_457 = arith.constant 3.700000e+01 : f32
    %jit3A_458 = arith.constant 3.600000e+01 : f32
    %broadcast_in_dim3A_459 = vector.broadcast %jit3A_457 : f32 to vector<1152x128xf32>
    %broadcast_in_dim3A_460 = vector.broadcast %jit3A_458 : f32 to vector<1152x128xf32>
    %select_n3A_461 = arith.select %lt3A_455, %broadcast_in_dim3A_459, %broadcast_in_dim3A_460 : vector<1152x128xi1>, vector<1152x128xf32>
    %lt3A_462 = arith.cmpf olt, %slice3A_454, %slice3A_453 : vector<1152x128xf32>
    %min3A_463 = arith.minimumf %slice3A_454, %slice3A_453 : vector<1152x128xf32>
    %jit3A_464 = arith.constant 3.900000e+01 : f32
    %jit3A_465 = arith.constant 3.800000e+01 : f32
    %broadcast_in_dim3A_466 = vector.broadcast %jit3A_464 : f32 to vector<1152x128xf32>
    %broadcast_in_dim3A_467 = vector.broadcast %jit3A_465 : f32 to vector<1152x128xf32>
    %select_n3A_468 = arith.select %lt3A_462, %broadcast_in_dim3A_466, %broadcast_in_dim3A_467 : vector<1152x128xi1>, vector<1152x128xf32>
    %lt3A_469 = arith.cmpf olt, %min3A_463, %min3A_456 : vector<1152x128xf32>
    %min3A_470 = arith.minimumf %min3A_463, %min3A_456 : vector<1152x128xf32>
    %select_n3A_471 = arith.select %lt3A_469, %select_n3A_468, %select_n3A_461 : vector<1152x128xi1>, vector<1152x128xf32>
    %get3A_472 = arith.constant 0 : index
    %get3A_473 = arith.constant 0 : index
    %get3A_474 = vector.load %arg9[%get3A_472, %get3A_473] : memref<1152x128xf32, #tpu.memory_space<vmem>>, vector<1152x128xf32>
    %lt3A_475 = arith.cmpf olt, %min3A_470, %get3A_474 : vector<1152x128xf32>
    %min3A_476 = arith.minimumf %min3A_470, %get3A_474 : vector<1152x128xf32>
    %swap3A_477 = arith.constant 0 : index
    %swap3A_478 = arith.constant 0 : index
    %swap3A_479 = vector.load %arg9[%swap3A_477, %swap3A_478] : memref<1152x128xf32, #tpu.memory_space<vmem>>, vector<1152x128xf32>
    tpu.vector_store %arg9[%swap3A_477, %swap3A_478], %min3A_476 {strides = array<i32>} : memref<1152x128xf32, #tpu.memory_space<vmem>>, vector<1152x128xf32>,
    %get3A_480 = arith.constant 0 : index
    %get3A_481 = arith.constant 0 : index
    %get3A_482 = vector.load %arg10[%get3A_480, %get3A_481] : memref<1152x128xf32, #tpu.memory_space<vmem>>, vector<1152x128xf32>
    %select_n3A_483 = arith.select %lt3A_475, %select_n3A_471, %get3A_482 : vector<1152x128xi1>, vector<1152x128xf32>
    %swap3A_484 = arith.constant 0 : index
    %swap3A_485 = arith.constant 0 : index
    %swap3A_486 = vector.load %arg10[%swap3A_484, %swap3A_485] : memref<1152x128xf32, #tpu.memory_space<vmem>>, vector<1152x128xf32>
    tpu.vector_store %arg10[%swap3A_484, %swap3A_485], %select_n3A_483 {strides = array<i32>} : memref<1152x128xf32, #tpu.memory_space<vmem>>, vector<1152x128xf32>,
    %get3A_487 = arith.constant 5120 : index
    %get3A_488 = arith.constant 0 : index
    %get3A_489 = vector.load %arg6[%get3A_487, %get3A_488] : memref<8192x64xf32, #tpu.memory_space<vmem>>, vector<512x64xf32>
    %dot_general3A_490 = arith.constant dense<0.000000e+00> : vector<1152x512xf32>
    %dot_general3A_491 = tpu.matmul %add3A, %get3A_489, %dot_general3A_490 {dimension_numbers = #tpu.dot_dimension_numbers<[1], [1], [0], [0], [0, 0, 1, 0], [], []>, transpose_lhs_hint = false} : vector<1152x64xf32>, vector<512x64xf32>, vector<1152x512xf32> -> vector<1152x512xf32>
    %sub3A_492 = vector.broadcast %broadcast_in_dim3A : vector<1152x1xf32> to vector<1152x512xf32>
    %sub3A_493 = arith.subf %sub3A_492, %dot_general3A_491 : vector<1152x512xf32>
    %get3A_494 = arith.constant 0 : index
    %get3A_495 = arith.constant 5120 : index
    %get3A_496 = vector.load %arg3[%get3A_494, %get3A_495] : memref<1x8192xf32, #tpu.memory_space<vmem>>, vector<1x512xf32>
    %add3A_497 = vector.broadcast %get3A_496 : vector<1x512xf32> to vector<1152x512xf32>
    %add3A_498 = arith.addf %sub3A_493, %add3A_497 : vector<1152x512xf32>
    %slice3A_499 = vector.extract_strided_slice %add3A_498 {offsets = [0, 0], sizes = [1152, 128], strides = [1, 1]} : vector<1152x512xf32> to vector<1152x128xf32>
    %slice3A_500 = vector.extract_strided_slice %add3A_498 {offsets = [0, 128], sizes = [1152, 128], strides = [1, 1]} : vector<1152x512xf32> to vector<1152x128xf32>
    %slice3A_501 = vector.extract_strided_slice %add3A_498 {offsets = [0, 256], sizes = [1152, 128], strides = [1, 1]} : vector<1152x512xf32> to vector<1152x128xf32>
    %slice3A_502 = vector.extract_strided_slice %add3A_498 {offsets = [0, 384], sizes = [1152, 128], strides = [1, 1]} : vector<1152x512xf32> to vector<1152x128xf32>
    %lt3A_503 = arith.cmpf olt, %slice3A_500, %slice3A_499 : vector<1152x128xf32>
    %min3A_504 = arith.minimumf %slice3A_500, %slice3A_499 : vector<1152x128xf32>
    %jit3A_505 = arith.constant 4.100000e+01 : f32
    %jit3A_506 = arith.constant 4.000000e+01 : f32
    %broadcast_in_dim3A_507 = vector.broadcast %jit3A_505 : f32 to vector<1152x128xf32>
    %broadcast_in_dim3A_508 = vector.broadcast %jit3A_506 : f32 to vector<1152x128xf32>
    %select_n3A_509 = arith.select %lt3A_503, %broadcast_in_dim3A_507, %broadcast_in_dim3A_508 : vector<1152x128xi1>, vector<1152x128xf32>
    %lt3A_510 = arith.cmpf olt, %slice3A_502, %slice3A_501 : vector<1152x128xf32>
    %min3A_511 = arith.minimumf %slice3A_502, %slice3A_501 : vector<1152x128xf32>
    %jit3A_512 = arith.constant 4.300000e+01 : f32
    %jit3A_513 = arith.constant 4.200000e+01 : f32
    %broadcast_in_dim3A_514 = vector.broadcast %jit3A_512 : f32 to vector<1152x128xf32>
    %broadcast_in_dim3A_515 = vector.broadcast %jit3A_513 : f32 to vector<1152x128xf32>
    %select_n3A_516 = arith.select %lt3A_510, %broadcast_in_dim3A_514, %broadcast_in_dim3A_515 : vector<1152x128xi1>, vector<1152x128xf32>
    %lt3A_517 = arith.cmpf olt, %min3A_511, %min3A_504 : vector<1152x128xf32>
    %min3A_518 = arith.minimumf %min3A_511, %min3A_504 : vector<1152x128xf32>
    %select_n3A_519 = arith.select %lt3A_517, %select_n3A_516, %select_n3A_509 : vector<1152x128xi1>, vector<1152x128xf32>
    %get3A_520 = arith.constant 0 : index
    %get3A_521 = arith.constant 0 : index
    %get3A_522 = vector.load %arg9[%get3A_520, %get3A_521] : memref<1152x128xf32, #tpu.memory_space<vmem>>, vector<1152x128xf32>
    %lt3A_523 = arith.cmpf olt, %min3A_518, %get3A_522 : vector<1152x128xf32>
    %min3A_524 = arith.minimumf %min3A_518, %get3A_522 : vector<1152x128xf32>
    %swap3A_525 = arith.constant 0 : index
    %swap3A_526 = arith.constant 0 : index
    %swap3A_527 = vector.load %arg9[%swap3A_525, %swap3A_526] : memref<1152x128xf32, #tpu.memory_space<vmem>>, vector<1152x128xf32>
    tpu.vector_store %arg9[%swap3A_525, %swap3A_526], %min3A_524 {strides = array<i32>} : memref<1152x128xf32, #tpu.memory_space<vmem>>, vector<1152x128xf32>,
    %get3A_528 = arith.constant 0 : index
    %get3A_529 = arith.constant 0 : index
    %get3A_530 = vector.load %arg10[%get3A_528, %get3A_529] : memref<1152x128xf32, #tpu.memory_space<vmem>>, vector<1152x128xf32>
    %select_n3A_531 = arith.select %lt3A_523, %select_n3A_519, %get3A_530 : vector<1152x128xi1>, vector<1152x128xf32>
    %swap3A_532 = arith.constant 0 : index
    %swap3A_533 = arith.constant 0 : index
    %swap3A_534 = vector.load %arg10[%swap3A_532, %swap3A_533] : memref<1152x128xf32, #tpu.memory_space<vmem>>, vector<1152x128xf32>
    tpu.vector_store %arg10[%swap3A_532, %swap3A_533], %select_n3A_531 {strides = array<i32>} : memref<1152x128xf32, #tpu.memory_space<vmem>>, vector<1152x128xf32>,
    %get3A_535 = arith.constant 5632 : index
    %get3A_536 = arith.constant 0 : index
    %get3A_537 = vector.load %arg6[%get3A_535, %get3A_536] : memref<8192x64xf32, #tpu.memory_space<vmem>>, vector<512x64xf32>
    %dot_general3A_538 = arith.constant dense<0.000000e+00> : vector<1152x512xf32>
    %dot_general3A_539 = tpu.matmul %add3A, %get3A_537, %dot_general3A_538 {dimension_numbers = #tpu.dot_dimension_numbers<[1], [1], [0], [0], [0, 0, 1, 0], [], []>, transpose_lhs_hint = false} : vector<1152x64xf32>, vector<512x64xf32>, vector<1152x512xf32> -> vector<1152x512xf32>
    %sub3A_540 = vector.broadcast %broadcast_in_dim3A : vector<1152x1xf32> to vector<1152x512xf32>
    %sub3A_541 = arith.subf %sub3A_540, %dot_general3A_539 : vector<1152x512xf32>
    %get3A_542 = arith.constant 0 : index
    %get3A_543 = arith.constant 5632 : index
    %get3A_544 = vector.load %arg3[%get3A_542, %get3A_543] : memref<1x8192xf32, #tpu.memory_space<vmem>>, vector<1x512xf32>
    %add3A_545 = vector.broadcast %get3A_544 : vector<1x512xf32> to vector<1152x512xf32>
    %add3A_546 = arith.addf %sub3A_541, %add3A_545 : vector<1152x512xf32>
    %slice3A_547 = vector.extract_strided_slice %add3A_546 {offsets = [0, 0], sizes = [1152, 128], strides = [1, 1]} : vector<1152x512xf32> to vector<1152x128xf32>
    %slice3A_548 = vector.extract_strided_slice %add3A_546 {offsets = [0, 128], sizes = [1152, 128], strides = [1, 1]} : vector<1152x512xf32> to vector<1152x128xf32>
    %slice3A_549 = vector.extract_strided_slice %add3A_546 {offsets = [0, 256], sizes = [1152, 128], strides = [1, 1]} : vector<1152x512xf32> to vector<1152x128xf32>
    %slice3A_550 = vector.extract_strided_slice %add3A_546 {offsets = [0, 384], sizes = [1152, 128], strides = [1, 1]} : vector<1152x512xf32> to vector<1152x128xf32>
    %lt3A_551 = arith.cmpf olt, %slice3A_548, %slice3A_547 : vector<1152x128xf32>
    %min3A_552 = arith.minimumf %slice3A_548, %slice3A_547 : vector<1152x128xf32>
    %jit3A_553 = arith.constant 4.500000e+01 : f32
    %jit3A_554 = arith.constant 4.400000e+01 : f32
    %broadcast_in_dim3A_555 = vector.broadcast %jit3A_553 : f32 to vector<1152x128xf32>
    %broadcast_in_dim3A_556 = vector.broadcast %jit3A_554 : f32 to vector<1152x128xf32>
    %select_n3A_557 = arith.select %lt3A_551, %broadcast_in_dim3A_555, %broadcast_in_dim3A_556 : vector<1152x128xi1>, vector<1152x128xf32>
    %lt3A_558 = arith.cmpf olt, %slice3A_550, %slice3A_549 : vector<1152x128xf32>
    %min3A_559 = arith.minimumf %slice3A_550, %slice3A_549 : vector<1152x128xf32>
    %jit3A_560 = arith.constant 4.700000e+01 : f32
    %jit3A_561 = arith.constant 4.600000e+01 : f32
    %broadcast_in_dim3A_562 = vector.broadcast %jit3A_560 : f32 to vector<1152x128xf32>
    %broadcast_in_dim3A_563 = vector.broadcast %jit3A_561 : f32 to vector<1152x128xf32>
    %select_n3A_564 = arith.select %lt3A_558, %broadcast_in_dim3A_562, %broadcast_in_dim3A_563 : vector<1152x128xi1>, vector<1152x128xf32>
    %lt3A_565 = arith.cmpf olt, %min3A_559, %min3A_552 : vector<1152x128xf32>
    %min3A_566 = arith.minimumf %min3A_559, %min3A_552 : vector<1152x128xf32>
    %select_n3A_567 = arith.select %lt3A_565, %select_n3A_564, %select_n3A_557 : vector<1152x128xi1>, vector<1152x128xf32>
    %get3A_568 = arith.constant 0 : index
    %get3A_569 = arith.constant 0 : index
    %get3A_570 = vector.load %arg9[%get3A_568, %get3A_569] : memref<1152x128xf32, #tpu.memory_space<vmem>>, vector<1152x128xf32>
    %lt3A_571 = arith.cmpf olt, %min3A_566, %get3A_570 : vector<1152x128xf32>
    %min3A_572 = arith.minimumf %min3A_566, %get3A_570 : vector<1152x128xf32>
    %swap3A_573 = arith.constant 0 : index
    %swap3A_574 = arith.constant 0 : index
    %swap3A_575 = vector.load %arg9[%swap3A_573, %swap3A_574] : memref<1152x128xf32, #tpu.memory_space<vmem>>, vector<1152x128xf32>
    tpu.vector_store %arg9[%swap3A_573, %swap3A_574], %min3A_572 {strides = array<i32>} : memref<1152x128xf32, #tpu.memory_space<vmem>>, vector<1152x128xf32>,
    %get3A_576 = arith.constant 0 : index
    %get3A_577 = arith.constant 0 : index
    %get3A_578 = vector.load %arg10[%get3A_576, %get3A_577] : memref<1152x128xf32, #tpu.memory_space<vmem>>, vector<1152x128xf32>
    %select_n3A_579 = arith.select %lt3A_571, %select_n3A_567, %get3A_578 : vector<1152x128xi1>, vector<1152x128xf32>
    %swap3A_580 = arith.constant 0 : index
    %swap3A_581 = arith.constant 0 : index
    %swap3A_582 = vector.load %arg10[%swap3A_580, %swap3A_581] : memref<1152x128xf32, #tpu.memory_space<vmem>>, vector<1152x128xf32>
    tpu.vector_store %arg10[%swap3A_580, %swap3A_581], %select_n3A_579 {strides = array<i32>} : memref<1152x128xf32, #tpu.memory_space<vmem>>, vector<1152x128xf32>,
    %get3A_583 = arith.constant 6144 : index
    %get3A_584 = arith.constant 0 : index
    %get3A_585 = vector.load %arg6[%get3A_583, %get3A_584] : memref<8192x64xf32, #tpu.memory_space<vmem>>, vector<512x64xf32>
    %dot_general3A_586 = arith.constant dense<0.000000e+00> : vector<1152x512xf32>
    %dot_general3A_587 = tpu.matmul %add3A, %get3A_585, %dot_general3A_586 {dimension_numbers = #tpu.dot_dimension_numbers<[1], [1], [0], [0], [0, 0, 1, 0], [], []>, transpose_lhs_hint = false} : vector<1152x64xf32>, vector<512x64xf32>, vector<1152x512xf32> -> vector<1152x512xf32>
    %sub3A_588 = vector.broadcast %broadcast_in_dim3A : vector<1152x1xf32> to vector<1152x512xf32>
    %sub3A_589 = arith.subf %sub3A_588, %dot_general3A_587 : vector<1152x512xf32>
    %get3A_590 = arith.constant 0 : index
    %get3A_591 = arith.constant 6144 : index
    %get3A_592 = vector.load %arg3[%get3A_590, %get3A_591] : memref<1x8192xf32, #tpu.memory_space<vmem>>, vector<1x512xf32>
    %add3A_593 = vector.broadcast %get3A_592 : vector<1x512xf32> to vector<1152x512xf32>
    %add3A_594 = arith.addf %sub3A_589, %add3A_593 : vector<1152x512xf32>
    %slice3A_595 = vector.extract_strided_slice %add3A_594 {offsets = [0, 0], sizes = [1152, 128], strides = [1, 1]} : vector<1152x512xf32> to vector<1152x128xf32>
    %slice3A_596 = vector.extract_strided_slice %add3A_594 {offsets = [0, 128], sizes = [1152, 128], strides = [1, 1]} : vector<1152x512xf32> to vector<1152x128xf32>
    %slice3A_597 = vector.extract_strided_slice %add3A_594 {offsets = [0, 256], sizes = [1152, 128], strides = [1, 1]} : vector<1152x512xf32> to vector<1152x128xf32>
    %slice3A_598 = vector.extract_strided_slice %add3A_594 {offsets = [0, 384], sizes = [1152, 128], strides = [1, 1]} : vector<1152x512xf32> to vector<1152x128xf32>
    %lt3A_599 = arith.cmpf olt, %slice3A_596, %slice3A_595 : vector<1152x128xf32>
    %min3A_600 = arith.minimumf %slice3A_596, %slice3A_595 : vector<1152x128xf32>
    %jit3A_601 = arith.constant 4.900000e+01 : f32
    %jit3A_602 = arith.constant 4.800000e+01 : f32
    %broadcast_in_dim3A_603 = vector.broadcast %jit3A_601 : f32 to vector<1152x128xf32>
    %broadcast_in_dim3A_604 = vector.broadcast %jit3A_602 : f32 to vector<1152x128xf32>
    %select_n3A_605 = arith.select %lt3A_599, %broadcast_in_dim3A_603, %broadcast_in_dim3A_604 : vector<1152x128xi1>, vector<1152x128xf32>
    %lt3A_606 = arith.cmpf olt, %slice3A_598, %slice3A_597 : vector<1152x128xf32>
    %min3A_607 = arith.minimumf %slice3A_598, %slice3A_597 : vector<1152x128xf32>
    %jit3A_608 = arith.constant 5.100000e+01 : f32
    %jit3A_609 = arith.constant 5.000000e+01 : f32
    %broadcast_in_dim3A_610 = vector.broadcast %jit3A_608 : f32 to vector<1152x128xf32>
    %broadcast_in_dim3A_611 = vector.broadcast %jit3A_609 : f32 to vector<1152x128xf32>
    %select_n3A_612 = arith.select %lt3A_606, %broadcast_in_dim3A_610, %broadcast_in_dim3A_611 : vector<1152x128xi1>, vector<1152x128xf32>
    %lt3A_613 = arith.cmpf olt, %min3A_607, %min3A_600 : vector<1152x128xf32>
    %min3A_614 = arith.minimumf %min3A_607, %min3A_600 : vector<1152x128xf32>
    %select_n3A_615 = arith.select %lt3A_613, %select_n3A_612, %select_n3A_605 : vector<1152x128xi1>, vector<1152x128xf32>
    %get3A_616 = arith.constant 0 : index
    %get3A_617 = arith.constant 0 : index
    %get3A_618 = vector.load %arg9[%get3A_616, %get3A_617] : memref<1152x128xf32, #tpu.memory_space<vmem>>, vector<1152x128xf32>
    %lt3A_619 = arith.cmpf olt, %min3A_614, %get3A_618 : vector<1152x128xf32>
    %min3A_620 = arith.minimumf %min3A_614, %get3A_618 : vector<1152x128xf32>
    %swap3A_621 = arith.constant 0 : index
    %swap3A_622 = arith.constant 0 : index
    %swap3A_623 = vector.load %arg9[%swap3A_621, %swap3A_622] : memref<1152x128xf32, #tpu.memory_space<vmem>>, vector<1152x128xf32>
    tpu.vector_store %arg9[%swap3A_621, %swap3A_622], %min3A_620 {strides = array<i32>} : memref<1152x128xf32, #tpu.memory_space<vmem>>, vector<1152x128xf32>,
    %get3A_624 = arith.constant 0 : index
    %get3A_625 = arith.constant 0 : index
    %get3A_626 = vector.load %arg10[%get3A_624, %get3A_625] : memref<1152x128xf32, #tpu.memory_space<vmem>>, vector<1152x128xf32>
    %select_n3A_627 = arith.select %lt3A_619, %select_n3A_615, %get3A_626 : vector<1152x128xi1>, vector<1152x128xf32>
    %swap3A_628 = arith.constant 0 : index
    %swap3A_629 = arith.constant 0 : index
    %swap3A_630 = vector.load %arg10[%swap3A_628, %swap3A_629] : memref<1152x128xf32, #tpu.memory_space<vmem>>, vector<1152x128xf32>
    tpu.vector_store %arg10[%swap3A_628, %swap3A_629], %select_n3A_627 {strides = array<i32>} : memref<1152x128xf32, #tpu.memory_space<vmem>>, vector<1152x128xf32>,
    %get3A_631 = arith.constant 6656 : index
    %get3A_632 = arith.constant 0 : index
    %get3A_633 = vector.load %arg6[%get3A_631, %get3A_632] : memref<8192x64xf32, #tpu.memory_space<vmem>>, vector<512x64xf32>
    %dot_general3A_634 = arith.constant dense<0.000000e+00> : vector<1152x512xf32>
    %dot_general3A_635 = tpu.matmul %add3A, %get3A_633, %dot_general3A_634 {dimension_numbers = #tpu.dot_dimension_numbers<[1], [1], [0], [0], [0, 0, 1, 0], [], []>, transpose_lhs_hint = false} : vector<1152x64xf32>, vector<512x64xf32>, vector<1152x512xf32> -> vector<1152x512xf32>
    %sub3A_636 = vector.broadcast %broadcast_in_dim3A : vector<1152x1xf32> to vector<1152x512xf32>
    %sub3A_637 = arith.subf %sub3A_636, %dot_general3A_635 : vector<1152x512xf32>
    %get3A_638 = arith.constant 0 : index
    %get3A_639 = arith.constant 6656 : index
    %get3A_640 = vector.load %arg3[%get3A_638, %get3A_639] : memref<1x8192xf32, #tpu.memory_space<vmem>>, vector<1x512xf32>
    %add3A_641 = vector.broadcast %get3A_640 : vector<1x512xf32> to vector<1152x512xf32>
    %add3A_642 = arith.addf %sub3A_637, %add3A_641 : vector<1152x512xf32>
    %slice3A_643 = vector.extract_strided_slice %add3A_642 {offsets = [0, 0], sizes = [1152, 128], strides = [1, 1]} : vector<1152x512xf32> to vector<1152x128xf32>
    %slice3A_644 = vector.extract_strided_slice %add3A_642 {offsets = [0, 128], sizes = [1152, 128], strides = [1, 1]} : vector<1152x512xf32> to vector<1152x128xf32>
    %slice3A_645 = vector.extract_strided_slice %add3A_642 {offsets = [0, 256], sizes = [1152, 128], strides = [1, 1]} : vector<1152x512xf32> to vector<1152x128xf32>
    %slice3A_646 = vector.extract_strided_slice %add3A_642 {offsets = [0, 384], sizes = [1152, 128], strides = [1, 1]} : vector<1152x512xf32> to vector<1152x128xf32>
    %lt3A_647 = arith.cmpf olt, %slice3A_644, %slice3A_643 : vector<1152x128xf32>
    %min3A_648 = arith.minimumf %slice3A_644, %slice3A_643 : vector<1152x128xf32>
    %jit3A_649 = arith.constant 5.300000e+01 : f32
    %jit3A_650 = arith.constant 5.200000e+01 : f32
    %broadcast_in_dim3A_651 = vector.broadcast %jit3A_649 : f32 to vector<1152x128xf32>
    %broadcast_in_dim3A_652 = vector.broadcast %jit3A_650 : f32 to vector<1152x128xf32>
    %select_n3A_653 = arith.select %lt3A_647, %broadcast_in_dim3A_651, %broadcast_in_dim3A_652 : vector<1152x128xi1>, vector<1152x128xf32>
    %lt3A_654 = arith.cmpf olt, %slice3A_646, %slice3A_645 : vector<1152x128xf32>
    %min3A_655 = arith.minimumf %slice3A_646, %slice3A_645 : vector<1152x128xf32>
    %jit3A_656 = arith.constant 5.500000e+01 : f32
    %jit3A_657 = arith.constant 5.400000e+01 : f32
    %broadcast_in_dim3A_658 = vector.broadcast %jit3A_656 : f32 to vector<1152x128xf32>
    %broadcast_in_dim3A_659 = vector.broadcast %jit3A_657 : f32 to vector<1152x128xf32>
    %select_n3A_660 = arith.select %lt3A_654, %broadcast_in_dim3A_658, %broadcast_in_dim3A_659 : vector<1152x128xi1>, vector<1152x128xf32>
    %lt3A_661 = arith.cmpf olt, %min3A_655, %min3A_648 : vector<1152x128xf32>
    %min3A_662 = arith.minimumf %min3A_655, %min3A_648 : vector<1152x128xf32>
    %select_n3A_663 = arith.select %lt3A_661, %select_n3A_660, %select_n3A_653 : vector<1152x128xi1>, vector<1152x128xf32>
    %get3A_664 = arith.constant 0 : index
    %get3A_665 = arith.constant 0 : index
    %get3A_666 = vector.load %arg9[%get3A_664, %get3A_665] : memref<1152x128xf32, #tpu.memory_space<vmem>>, vector<1152x128xf32>
    %lt3A_667 = arith.cmpf olt, %min3A_662, %get3A_666 : vector<1152x128xf32>
    %min3A_668 = arith.minimumf %min3A_662, %get3A_666 : vector<1152x128xf32>
    %swap3A_669 = arith.constant 0 : index
    %swap3A_670 = arith.constant 0 : index
    %swap3A_671 = vector.load %arg9[%swap3A_669, %swap3A_670] : memref<1152x128xf32, #tpu.memory_space<vmem>>, vector<1152x128xf32>
    tpu.vector_store %arg9[%swap3A_669, %swap3A_670], %min3A_668 {strides = array<i32>} : memref<1152x128xf32, #tpu.memory_space<vmem>>, vector<1152x128xf32>,
    %get3A_672 = arith.constant 0 : index
    %get3A_673 = arith.constant 0 : index
    %get3A_674 = vector.load %arg10[%get3A_672, %get3A_673] : memref<1152x128xf32, #tpu.memory_space<vmem>>, vector<1152x128xf32>
    %select_n3A_675 = arith.select %lt3A_667, %select_n3A_663, %get3A_674 : vector<1152x128xi1>, vector<1152x128xf32>
    %swap3A_676 = arith.constant 0 : index
    %swap3A_677 = arith.constant 0 : index
    %swap3A_678 = vector.load %arg10[%swap3A_676, %swap3A_677] : memref<1152x128xf32, #tpu.memory_space<vmem>>, vector<1152x128xf32>
    tpu.vector_store %arg10[%swap3A_676, %swap3A_677], %select_n3A_675 {strides = array<i32>} : memref<1152x128xf32, #tpu.memory_space<vmem>>, vector<1152x128xf32>,
    %get3A_679 = arith.constant 7168 : index
    %get3A_680 = arith.constant 0 : index
    %get3A_681 = vector.load %arg6[%get3A_679, %get3A_680] : memref<8192x64xf32, #tpu.memory_space<vmem>>, vector<512x64xf32>
    %dot_general3A_682 = arith.constant dense<0.000000e+00> : vector<1152x512xf32>
    %dot_general3A_683 = tpu.matmul %add3A, %get3A_681, %dot_general3A_682 {dimension_numbers = #tpu.dot_dimension_numbers<[1], [1], [0], [0], [0, 0, 1, 0], [], []>, transpose_lhs_hint = false} : vector<1152x64xf32>, vector<512x64xf32>, vector<1152x512xf32> -> vector<1152x512xf32>
    %sub3A_684 = vector.broadcast %broadcast_in_dim3A : vector<1152x1xf32> to vector<1152x512xf32>
    %sub3A_685 = arith.subf %sub3A_684, %dot_general3A_683 : vector<1152x512xf32>
    %get3A_686 = arith.constant 0 : index
    %get3A_687 = arith.constant 7168 : index
    %get3A_688 = vector.load %arg3[%get3A_686, %get3A_687] : memref<1x8192xf32, #tpu.memory_space<vmem>>, vector<1x512xf32>
    %add3A_689 = vector.broadcast %get3A_688 : vector<1x512xf32> to vector<1152x512xf32>
    %add3A_690 = arith.addf %sub3A_685, %add3A_689 : vector<1152x512xf32>
    %slice3A_691 = vector.extract_strided_slice %add3A_690 {offsets = [0, 0], sizes = [1152, 128], strides = [1, 1]} : vector<1152x512xf32> to vector<1152x128xf32>
    %slice3A_692 = vector.extract_strided_slice %add3A_690 {offsets = [0, 128], sizes = [1152, 128], strides = [1, 1]} : vector<1152x512xf32> to vector<1152x128xf32>
    %slice3A_693 = vector.extract_strided_slice %add3A_690 {offsets = [0, 256], sizes = [1152, 128], strides = [1, 1]} : vector<1152x512xf32> to vector<1152x128xf32>
    %slice3A_694 = vector.extract_strided_slice %add3A_690 {offsets = [0, 384], sizes = [1152, 128], strides = [1, 1]} : vector<1152x512xf32> to vector<1152x128xf32>
    %lt3A_695 = arith.cmpf olt, %slice3A_692, %slice3A_691 : vector<1152x128xf32>
    %min3A_696 = arith.minimumf %slice3A_692, %slice3A_691 : vector<1152x128xf32>
    %jit3A_697 = arith.constant 5.700000e+01 : f32
    %jit3A_698 = arith.constant 5.600000e+01 : f32
    %broadcast_in_dim3A_699 = vector.broadcast %jit3A_697 : f32 to vector<1152x128xf32>
    %broadcast_in_dim3A_700 = vector.broadcast %jit3A_698 : f32 to vector<1152x128xf32>
    %select_n3A_701 = arith.select %lt3A_695, %broadcast_in_dim3A_699, %broadcast_in_dim3A_700 : vector<1152x128xi1>, vector<1152x128xf32>
    %lt3A_702 = arith.cmpf olt, %slice3A_694, %slice3A_693 : vector<1152x128xf32>
    %min3A_703 = arith.minimumf %slice3A_694, %slice3A_693 : vector<1152x128xf32>
    %jit3A_704 = arith.constant 5.900000e+01 : f32
    %jit3A_705 = arith.constant 5.800000e+01 : f32
    %broadcast_in_dim3A_706 = vector.broadcast %jit3A_704 : f32 to vector<1152x128xf32>
    %broadcast_in_dim3A_707 = vector.broadcast %jit3A_705 : f32 to vector<1152x128xf32>
    %select_n3A_708 = arith.select %lt3A_702, %broadcast_in_dim3A_706, %broadcast_in_dim3A_707 : vector<1152x128xi1>, vector<1152x128xf32>
    %lt3A_709 = arith.cmpf olt, %min3A_703, %min3A_696 : vector<1152x128xf32>
    %min3A_710 = arith.minimumf %min3A_703, %min3A_696 : vector<1152x128xf32>
    %select_n3A_711 = arith.select %lt3A_709, %select_n3A_708, %select_n3A_701 : vector<1152x128xi1>, vector<1152x128xf32>
    %get3A_712 = arith.constant 0 : index
    %get3A_713 = arith.constant 0 : index
    %get3A_714 = vector.load %arg9[%get3A_712, %get3A_713] : memref<1152x128xf32, #tpu.memory_space<vmem>>, vector<1152x128xf32>
    %lt3A_715 = arith.cmpf olt, %min3A_710, %get3A_714 : vector<1152x128xf32>
    %min3A_716 = arith.minimumf %min3A_710, %get3A_714 : vector<1152x128xf32>
    %swap3A_717 = arith.constant 0 : index
    %swap3A_718 = arith.constant 0 : index
    %swap3A_719 = vector.load %arg9[%swap3A_717, %swap3A_718] : memref<1152x128xf32, #tpu.memory_space<vmem>>, vector<1152x128xf32>
    tpu.vector_store %arg9[%swap3A_717, %swap3A_718], %min3A_716 {strides = array<i32>} : memref<1152x128xf32, #tpu.memory_space<vmem>>, vector<1152x128xf32>,
    %get3A_720 = arith.constant 0 : index
    %get3A_721 = arith.constant 0 : index
    %get3A_722 = vector.load %arg10[%get3A_720, %get3A_721] : memref<1152x128xf32, #tpu.memory_space<vmem>>, vector<1152x128xf32>
    %select_n3A_723 = arith.select %lt3A_715, %select_n3A_711, %get3A_722 : vector<1152x128xi1>, vector<1152x128xf32>
    %swap3A_724 = arith.constant 0 : index
    %swap3A_725 = arith.constant 0 : index
    %swap3A_726 = vector.load %arg10[%swap3A_724, %swap3A_725] : memref<1152x128xf32, #tpu.memory_space<vmem>>, vector<1152x128xf32>
    tpu.vector_store %arg10[%swap3A_724, %swap3A_725], %select_n3A_723 {strides = array<i32>} : memref<1152x128xf32, #tpu.memory_space<vmem>>, vector<1152x128xf32>,
    %get3A_727 = arith.constant 7680 : index
    %get3A_728 = arith.constant 0 : index
    %get3A_729 = vector.load %arg6[%get3A_727, %get3A_728] : memref<8192x64xf32, #tpu.memory_space<vmem>>, vector<512x64xf32>
    %dot_general3A_730 = arith.constant dense<0.000000e+00> : vector<1152x512xf32>
    %dot_general3A_731 = tpu.matmul %add3A, %get3A_729, %dot_general3A_730 {dimension_numbers = #tpu.dot_dimension_numbers<[1], [1], [0], [0], [0, 0, 1, 0], [], []>, transpose_lhs_hint = false} : vector<1152x64xf32>, vector<512x64xf32>, vector<1152x512xf32> -> vector<1152x512xf32>
    %sub3A_732 = vector.broadcast %broadcast_in_dim3A : vector<1152x1xf32> to vector<1152x512xf32>
    %sub3A_733 = arith.subf %sub3A_732, %dot_general3A_731 : vector<1152x512xf32>
    %get3A_734 = arith.constant 0 : index
    %get3A_735 = arith.constant 7680 : index
    %get3A_736 = vector.load %arg3[%get3A_734, %get3A_735] : memref<1x8192xf32, #tpu.memory_space<vmem>>, vector<1x512xf32>
    %add3A_737 = vector.broadcast %get3A_736 : vector<1x512xf32> to vector<1152x512xf32>
    %add3A_738 = arith.addf %sub3A_733, %add3A_737 : vector<1152x512xf32>
    %slice3A_739 = vector.extract_strided_slice %add3A_738 {offsets = [0, 0], sizes = [1152, 128], strides = [1, 1]} : vector<1152x512xf32> to vector<1152x128xf32>
    %slice3A_740 = vector.extract_strided_slice %add3A_738 {offsets = [0, 128], sizes = [1152, 128], strides = [1, 1]} : vector<1152x512xf32> to vector<1152x128xf32>
    %slice3A_741 = vector.extract_strided_slice %add3A_738 {offsets = [0, 256], sizes = [1152, 128], strides = [1, 1]} : vector<1152x512xf32> to vector<1152x128xf32>
    %slice3A_742 = vector.extract_strided_slice %add3A_738 {offsets = [0, 384], sizes = [1152, 128], strides = [1, 1]} : vector<1152x512xf32> to vector<1152x128xf32>
    %lt3A_743 = arith.cmpf olt, %slice3A_740, %slice3A_739 : vector<1152x128xf32>
    %min3A_744 = arith.minimumf %slice3A_740, %slice3A_739 : vector<1152x128xf32>
    %jit3A_745 = arith.constant 6.100000e+01 : f32
    %jit3A_746 = arith.constant 6.000000e+01 : f32
    %broadcast_in_dim3A_747 = vector.broadcast %jit3A_745 : f32 to vector<1152x128xf32>
    %broadcast_in_dim3A_748 = vector.broadcast %jit3A_746 : f32 to vector<1152x128xf32>
    %select_n3A_749 = arith.select %lt3A_743, %broadcast_in_dim3A_747, %broadcast_in_dim3A_748 : vector<1152x128xi1>, vector<1152x128xf32>
    %lt3A_750 = arith.cmpf olt, %slice3A_742, %slice3A_741 : vector<1152x128xf32>
    %min3A_751 = arith.minimumf %slice3A_742, %slice3A_741 : vector<1152x128xf32>
    %jit3A_752 = arith.constant 6.300000e+01 : f32
    %jit3A_753 = arith.constant 6.200000e+01 : f32
    %broadcast_in_dim3A_754 = vector.broadcast %jit3A_752 : f32 to vector<1152x128xf32>
    %broadcast_in_dim3A_755 = vector.broadcast %jit3A_753 : f32 to vector<1152x128xf32>
    %select_n3A_756 = arith.select %lt3A_750, %broadcast_in_dim3A_754, %broadcast_in_dim3A_755 : vector<1152x128xi1>, vector<1152x128xf32>
    %lt3A_757 = arith.cmpf olt, %min3A_751, %min3A_744 : vector<1152x128xf32>
    %min3A_758 = arith.minimumf %min3A_751, %min3A_744 : vector<1152x128xf32>
    %select_n3A_759 = arith.select %lt3A_757, %select_n3A_756, %select_n3A_749 : vector<1152x128xi1>, vector<1152x128xf32>
    %get3A_760 = arith.constant 0 : index
    %get3A_761 = arith.constant 0 : index
    %get3A_762 = vector.load %arg9[%get3A_760, %get3A_761] : memref<1152x128xf32, #tpu.memory_space<vmem>>, vector<1152x128xf32>
    %lt3A_763 = arith.cmpf olt, %min3A_758, %get3A_762 : vector<1152x128xf32>
    %min3A_764 = arith.minimumf %min3A_758, %get3A_762 : vector<1152x128xf32>
    %swap3A_765 = arith.constant 0 : index
    %swap3A_766 = arith.constant 0 : index
    %swap3A_767 = vector.load %arg9[%swap3A_765, %swap3A_766] : memref<1152x128xf32, #tpu.memory_space<vmem>>, vector<1152x128xf32>
    tpu.vector_store %arg9[%swap3A_765, %swap3A_766], %min3A_764 {strides = array<i32>} : memref<1152x128xf32, #tpu.memory_space<vmem>>, vector<1152x128xf32>,
    %get3A_768 = arith.constant 0 : index
    %get3A_769 = arith.constant 0 : index
    %get3A_770 = vector.load %arg10[%get3A_768, %get3A_769] : memref<1152x128xf32, #tpu.memory_space<vmem>>, vector<1152x128xf32>
    %select_n3A_771 = arith.select %lt3A_763, %select_n3A_759, %get3A_770 : vector<1152x128xi1>, vector<1152x128xf32>
    %swap3A_772 = arith.constant 0 : index
    %swap3A_773 = arith.constant 0 : index
    %swap3A_774 = vector.load %arg10[%swap3A_772, %swap3A_773] : memref<1152x128xf32, #tpu.memory_space<vmem>>, vector<1152x128xf32>
    tpu.vector_store %arg10[%swap3A_772, %swap3A_773], %select_n3A_771 {strides = array<i32>} : memref<1152x128xf32, #tpu.memory_space<vmem>>, vector<1152x128xf32>,
    %get3A_775 = arith.constant 0 : index
    %get3A_776 = arith.constant 0 : index
    %get3A_777 = vector.load %arg9[%get3A_775, %get3A_776] : memref<1152x128xf32, #tpu.memory_space<vmem>>, vector<1152x128xf32>
    %reduce_min3A = arith.constant dense<0x7F800000> : vector<1152xf32>
    %reduce_min3A_778 = vector.multi_reduction <minimumf>, %get3A_777, %reduce_min3A [1] : vector<1152x128xf32> to vector<1152xf32>
    %broadcast_in_dim3A_779 = vector.shape_cast %reduce_min3A_778 : vector<1152xf32> to vector<1152x1xf32>
    %iota3A = tpu.iota {dimensions = array<i32: 1>} : vector<1152x128xi32>
    %convert_element_type3A_780 = arith.sitofp %iota3A : vector<1152x128xi32> to vector<1152x128xf32>
    %get3A_781 = arith.constant 0 : index
    %get3A_782 = arith.constant 0 : index
    %get3A_783 = vector.load %arg10[%get3A_781, %get3A_782] : memref<1152x128xf32, #tpu.memory_space<vmem>>, vector<1152x128xf32>
    %mul3A = arith.constant 1.280000e+02 : f32
    %mul3A_784 = vector.broadcast %mul3A : f32 to vector<1152x128xf32>
    %mul3A_785 = arith.mulf %get3A_783, %mul3A_784 : vector<1152x128xf32>
    %add3A_786 = arith.addf %mul3A_785, %convert_element_type3A_780 : vector<1152x128xf32>
    %eq3A_787 = vector.broadcast %broadcast_in_dim3A_779 : vector<1152x1xf32> to vector<1152x128xf32>
    %eq3A_788 = arith.cmpf oeq, %get3A_777, %eq3A_787 : vector<1152x128xf32>
    %jit3A_789 = arith.constant 8.192000e+03 : f32
    %broadcast_in_dim3A_790 = vector.broadcast %jit3A_789 : f32 to vector<1152x128xf32>
    %select_n3A_791 = arith.select %eq3A_788, %add3A_786, %broadcast_in_dim3A_790 : vector<1152x128xi1>, vector<1152x128xf32>
    %reduce_min3A_792 = arith.constant dense<0x7F800000> : vector<1152xf32>
    %reduce_min3A_793 = vector.multi_reduction <minimumf>, %select_n3A_791, %reduce_min3A_792 [1] : vector<1152x128xf32> to vector<1152xf32>
    %broadcast_in_dim3A_794 = vector.shape_cast %reduce_min3A_793 : vector<1152xf32> to vector<1152x1xf32>
    %convert_element_type3A_795 = arith.fptosi %broadcast_in_dim3A_794 : vector<1152x1xf32> to vector<1152x1xi32>
    %swap3A_796 = arith.constant 0 : index
    %swap3A_797 = arith.constant 0 : index
    %swap3A_798 = vector.load %arg4[%swap3A_796, %swap3A_797] : memref<1152x1xi32, #tpu.memory_space<vmem>>, vector<1152x1xi32>
    tpu.vector_store %arg4[%swap3A_796, %swap3A_797], %convert_element_type3A_795 {strides = array<i32>} : memref<1152x1xi32, #tpu.memory_space<vmem>>, vector<1152x1xi32>,
    %get3A_799 = arith.constant 0 : index
    %get3A_800 = memref.load %arg8[%get3A_799] : memref<1xf32, #tpu.memory_space<smem>>
    %reduce_sum3A_801 = vector.shape_cast %broadcast_in_dim3A_779 : vector<1152x1xf32> to vector<1x1152x1xf32>
    %reduce_sum3A_802 = arith.constant dense<0.000000e+00> : vector<1xf32>
    %reduce_sum3A_803 = vector.multi_reduction <add>, %reduce_sum3A_801, %reduce_sum3A_802 [1, 2] : vector<1x1152x1xf32> to vector<1xf32>
    %reduce_sum3A_804 = vector.shape_cast %reduce_sum3A_803 : vector<1xf32> to vector<1x1x1xf32>
    %reduce_sum3A_805 = vector.extract %reduce_sum3A_804[0, 0, 0] : f32 from vector<1x1x1xf32>
    %add3A_806 = arith.addf %get3A_800, %reduce_sum3A_805 : f32
    %swap3A_807 = arith.constant 0 : index
    %swap3A_808 = memref.load %arg8[%swap3A_807] : memref<1xf32, #tpu.memory_space<smem>>
    memref.store %add3A_806, %arg8[%swap3A_807] : memref<1xf32, #tpu.memory_space<smem>>
    %eq3A_809 = arith.constant 7 : i32
    %eq3A_810 = arith.cmpi eq, %arg0, %eq3A_809 : i32
    %convert_element_type3A_811 = arith.extui %eq3A_810 : i1 to i32
    %cond3A_812 = arith.constant 0 : i32
    %cond3A_813 = arith.cmpi ne, %convert_element_type3A_811, %cond3A_812 : i32
    scf.if %cond3A_813 {
      %get3A_814 = arith.constant 0 : index
      %get3A_815 = memref.load %arg8[%get3A_814] : memref<1xf32, #tpu.memory_space<smem>>
      %swap3A_816 = arith.constant 0 : index
      %swap3A_817 = memref.load %arg5[%swap3A_816] : memref<1xf32, #tpu.memory_space<smem>>
      memref.store %get3A_815, %arg5[%swap3A_816] : memref<1xf32, #tpu.memory_space<smem>>
    } else {
    }
    return
  }
  func.func @transform_0(%arg0: i32) -> (i32, i32) {
    %c0_i32 = arith.constant 0 : i32
    %c0_i32_0 = arith.constant 0 : i32
    return %arg0, %c0_i32 : i32, i32
  }
  func.func @transform_2(%arg0: i32) -> (i32, i32) {
    %c0_i32 = arith.constant 0 : i32
    %c0_i32_0 = arith.constant 0 : i32
    %c0_i32_1 = arith.constant 0 : i32
    return %c0_i32, %c0_i32_0 : i32, i32
  }
  func.func @transform_3(%arg0: i32) -> (i32, i32) {
    %c0_i32 = arith.constant 0 : i32
    %c0_i32_0 = arith.constant 0 : i32
    return %arg0, %c0_i32 : i32, i32
  }
  func.func @transform_4(%arg0: i32) -> i32 {
    %c0_i32 = arith.constant 0 : i32
    %c0_i32_0 = arith.constant 0 : i32
    return %c0_i32 : i32
  }
}

</mosaic_0001>

<sc_bundles>
// kernel: kernel.4.cloned.1.call-start
scs
__scs_entry_jumppad:
0x0: {  	(pc) =	sbr.rel $0x88, $3  }
0x1: {  	(tag) =	ssettag $0x0;
	lr =	simm.s32 $0x1  }
0x2: {  	[smem:$0x3F9F] =	sst lr;
	_ =	strace $0xD0000000  }
0x3: {  	_ = 	snop  }
0x4: {  	_ = 	snop  }
0x5: {  	_ = 	snop  }
0x6: {  	_ = 	snop  }
0x7: {  	_ = 	snop  }
__scs_overlays_trampoline_lowered:
0x8: {  	[smem:$0x3FAE] =	sst s0  }
0x9: {  	[smem:$0x3FAF] =	sst s1  }
0xa: {  	[smem:$0x3FB0] =	sst s2  }
0xb: {  	[smem:$0x3FB1] =	sst s3  }
0xc: {  	[smem:$0x3FB2] =	sst s4  }
0xd: {  	[smem:$0x3FB3] =	sst s5  }
0xe: {  	[smem:$0x3FB4] =	sst s6  }
0xf: {  	[smem:$0x3FB5] =	sst s7  }
0x10: {  	[smem:$0x3FB6] =	sst s8  }
0x11: {  	[smem:$0x3FB7] =	sst s9;
	s0 =	simm.s32 @!p0 $0x0  }
0x12: {  	s1 =	sld [smem:$0x3F9D];
	s0 =	simm.s32 @p0 $0x1  }
0x13: {  	[smem:$0x3FB8] =	sst s0;
	s0 =	simm.s32 @!p1 $0x0  }
0x14: {  	s2 =	sld [smem:$0x3F9C];
	s0 =	simm.s32 @p1 $0x1  }
0x15: {  	[smem:$0x3FB9] =	sst s0;
	s0 =	simm.s32 @!p2 $0x0  }
0x16: {  	s3 =	sld [smem:$0x3FDB];
	s0 =	simm.s32 @p2 $0x1  }
0x17: {  	s4 =	simm.s32 $0x1BF5;
	[smem:$0x3FBB] =	sst s0  }
0x18: {  	s0 =	sld [smem:$0x3F9E];
	_ =	swait.ge [sflag:s4], $0x0  }
0x19: {  	s7 =	sld [smem:$0x3F9F]  }
0x1a: {  	s8 =	sadd.s32 $0xFFFFE003, lr  }
0x1b: {  	s9 =	sadd.s32 $0xFFFFFEF7, lr;
	s5 =	simm.s32 $0xFFFFFFFF;
	p2 =	slt.u32 s8, $0xFFFFF086  }
0x1c: {  	p1 =	slt.u32 s9, $0xF7A;
	s5 =	simm.s32 @!p2 $0x0  }
0x1d: {  	s5 =	simm.s32 @p1 $0x1;
	p0 =	seq.s32 s7, s2  }
0x1e: {  	s7 =	smul.u32 @!p0 $0xF7A, s2;
	p2 =	seq.s32 @!p0 s5, $0x0  }
0x1f: {  	s9 =	smul.u32 $0xF7A, s1;
	s8 =	simm.s32 @!p0 $0x1BF5;
	p2 =	por !p2, p0  }
0x20: {  	[sflag:s8] =	ssyncset.s32 @!p0 $0xFFFFF086;
	s6 =	sadd.s32 @!p0 s3, s7;
	s7 =	simm.s32 @!p0 $0x108  }
0x21: {  	s3 =	sadd.s32 s3, s9;
	s6 =	sadd.s32 @!p0 $0x88, s6;
	s7 =	simm.s32 @p2 $0x1082  }
0x22: {  	[simem:s7], [sflag:s8] =	dma.local @!p0 [hbm:s6], $0xF7A  }
0x23: {  	s9 =	sor.u32 $0xD0000000, s2;
	s6 =	simm.s32 $0x108;
	_ =	swait.ge @!p0 [sflag:s8], $0x0  }
0x24: {  	s3 =	sadd.s32 $0x88, s3;
	s6 =	simm.s32 @!p1 $0x1082;
	[sflag:s4] =	ssyncset.s32 $0xFFFFF086  }
0x25: {  	[simem:s6], [sflag:s4] =	dma.local [hbm:s3], $0xF7A  }
0x26: {  	[smem:$0x3F9F] =	sst s1;
	(tag) =	ssettag s2;
	_ =	strace s9  }
0x27: {  	s1 =	sld [smem:$0x3FAF]  }
0x28: {  	s2 =	sld [smem:$0x3FB0]  }
0x29: {  	s4 =	sld [smem:$0x3FB2]  }
0x2a: {  	p0 =	seq.s32 s5, $0x0;
	s5 =	sld [smem:$0x3FB3]  }
0x2b: {  	s6 =	sld [smem:$0x3FB4]  }
0x2c: {  	s7 =	sld [smem:$0x3FB5]  }
0x2d: {  	s3 =	simm.s32 $0x108;
	s8 =	sld [smem:$0x3FB6]  }
0x2e: {  	s3 =	simm.s32 @!p0 $0x1082;
	s9 =	sld [smem:$0x3FB7]  }
0x2f: {  	lr =	sadd.s32 s0, s3;
	s0 =	sld [smem:$0x3FAE]  }
0x30: {  	s3 =	sld [smem:$0x3FB1]  }
0x31: {  	[smem:$0x3FBA] =	sst s10  }
0x32: {  	s10 =	sld [smem:$0x3FB8];
	_ =	sdelay $0x3  }
0x33: {  	p0 =	seq.s32 s10, $0x1;
	s10 =	sld [smem:$0x3FBA];
	_ =	sdelay $0x3  }
0x34: {  	[smem:$0x3FBA] =	sst s10  }
0x35: {  	s10 =	sld [smem:$0x3FB9];
	_ =	sdelay $0x3  }
0x36: {  	p1 =	seq.s32 s10, $0x1;
	s10 =	sld [smem:$0x3FBA];
	_ =	sdelay $0x3  }
0x37: {  	[smem:$0x3FBA] =	sst s10  }
0x38: {  	s10 =	sld [smem:$0x3FBB]  }
0x39: {  	_ = 	snop;
	(pc) =	sbr.ind lr, $3  }
0x3a: {  	_ = 	snop  }
0x3b: {  	_ = 	snop  }
0x3c: {  	p2 =	seq.s32 s10, $0x1;
	s10 =	sld [smem:$0x3FBA]  }
0x3d: {  	_ =	shalt  }
0x3e: {  	_ =	shalt  }
0x3f: {  	_ =	shalt  }
0x40: {  	_ =	shalt  }
0x41: {  	_ =	shalt  }
0x42: {  	_ =	shalt  }
0x43: {  	_ =	shalt  }
0x44: {  	_ =	shalt  }
0x45: {  	_ =	shalt  }
0x46: {  	_ =	shalt  }
0x47: {  	_ =	shalt  }
0x48: {  	_ =	shalt  }
0x49: {  	_ =	shalt  }
0x4a: {  	_ =	shalt  }
0x4b: {  	_ =	shalt  }
0x4c: {  	_ =	shalt  }
0x4d: {  	_ =	shalt  }
0x4e: {  	_ =	shalt  }
0x4f: {  	_ =	shalt  }
0x50: {  	_ =	shalt  }
0x51: {  	_ =	shalt  }
0x52: {  	_ =	shalt  }
0x53: {  	_ =	shalt  }
0x54: {  	_ =	shalt  }
0x55: {  	_ =	shalt  }
0x56: {  	_ =	shalt  }
0x57: {  	_ =	shalt  }
0x58: {  	_ =	shalt  }
0x59: {  	_ =	shalt  }
0x5a: {  	_ =	shalt  }
0x5b: {  	_ =	shalt  }
0x5c: {  	_ =	shalt  }
0x5d: {  	_ =	shalt  }
0x5e: {  	_ =	shalt  }
0x5f: {  	_ =	shalt  }
0x60: {  	_ =	shalt  }
0x61: {  	_ =	shalt  }
0x62: {  	_ =	shalt  }
0x63: {  	_ =	shalt  }
0x64: {  	_ =	shalt  }
0x65: {  	_ =	shalt  }
0x66: {  	_ =	shalt  }
0x67: {  	_ =	shalt  }
0x68: {  	_ =	shalt  }
0x69: {  	_ =	shalt  }
0x6a: {  	_ =	shalt  }
0x6b: {  	_ =	shalt  }
0x6c: {  	_ =	shalt  }
0x6d: {  	_ =	shalt  }
0x6e: {  	_ =	shalt  }
0x6f: {  	_ =	shalt  }
0x70: {  	_ =	shalt  }
0x71: {  	_ =	shalt  }
0x72: {  	_ =	shalt  }
0x73: {  	_ =	shalt  }
0x74: {  	_ =	shalt  }
0x75: {  	_ =	shalt  }
0x76: {  	_ =	shalt  }
0x77: {  	_ =	shalt  }
0x78: {  	_ =	shalt  }
0x79: {  	_ =	shalt  }
0x7a: {  	_ =	shalt  }
0x7b: {  	_ =	shalt  }
0x7c: {  	_ =	shalt  }
0x7d: {  	_ =	shalt  }
0x7e: {  	_ =	shalt  }
0x7f: {  	_ =	shalt  }
0x80: {  	_ =	shalt  }
0x81: {  	_ =	shalt  }
0x82: {  	_ =	shalt  }
0x83: {  	_ =	shalt  }
0x84: {  	_ =	shalt  }
0x85: {  	_ =	shalt  }
0x86: {  	_ =	shalt  }
0x87: {  	_ =	shalt  }
.Lfunc_end0:
.L_simem_size_0:
called_computation_lowered:
.L_overlay_start_0:
0x88: {  	s2 =	sld [smem:$0x3FD9]  }
0x89: {  	s3 =	sld [smem:$0x3FFE];
	_ =	sdelay $0x1  }
0x8a: {  	s1 =	srdreg.scid  }
0x8b: {  	s0 =	sand.u32 $0x1, s1  }
0x8c: {  	s14 =	sshll.u32 s0, $0xA;
	s2 =	sadd.s32 s3, s2  }
0x8d: {  	s2 =	sadd.s32 s2, s14  }
0x8e: {  	[smem:$0x3FC6] =	sst s2  }
0x8f: {  	_ = 	snop  }
0x90: {  	s2 =	sld [smem:$0x3FD0];
	_ =	sdelay $0x2  }
0x91: {  	s15 =	simm.s32 $0xA;
	s4 =	simm.s32 $0x10  }
0x92: {  	[smem:s4], [sflag:s15] =	dma.local [hbm:s2], $0x1  }
0x93: {  	_ =	swait.eq [sflag:s15], $0x1  }
0x94: {  	[sflag:s15] =	ssyncset.done $0x0  }
0x95: {  	[sflag:s15] =	ssyncadd.s32 $0xFFFFFFFF  }
0x96: {  	s16 =	sld [smem:$0x10];
	(tm) =	ssettm $0x1  }
0x97: {  	s17 =	sld [smem:$0x3FFB];
	_ =	sdelay $0x3  }
0x98: {  	_ =	strace s17  }
0x99: {  	s3 =	sld [smem:$0x3FFC];
	_ =	sdelay $0x3  }
0x9a: {  	_ =	strace s3  }
0x9b: {  	s3 =	sld [smem:$0x3FFD];
	_ =	sdelay $0x3  }
0x9c: {  	_ =	strace s3  }
0x9d: {  	_ =	strace $0x8FFFFFFF  }
0x9e: {  	s18 =	sld [smem:$0x3FDB];
	_ =	sdelay $0x1  }
0x9f: {  	s19 =	simm.s32 $_scs_section_size  }
0xa0: {  	s5 =	simm.s32 $_size__tile_overlayer_lowered;
	s6 =	simm.s32 $_tile_overlayer_lowered  }
0xa1: {  	s22 =	simm.s32 $0x1BFF;
	s21 =	sshll.u32 s6, $0x1;
	s3 =	sadd.s32 s19, s18  }
0xa2: {  	s7 =	simm.s32 $0x0;
	s20 =	sshll.u32 s5, $0x1;
	s5 =	sadd.s32 s21, s3  }
0xa3: {  	[timem:s7], [sflag:s22] =	dma.local [hbm:s5], s20  }
0xa4: {  	_ =	swait.ge [sflag:s22], s20  }
0xa5: {  	s4 =	ssub.s32 $0x0, s20;
	[sflag:s22] =	ssyncset.done $0x0  }
0xa6: {  	[sflag:s22] =	ssyncadd.s32 s4;
	_ =	sdelay $0x1  }
0xa7: {  	s23 =	simm.s32 $0x1B8B  }
0xa8: {  	_ =	swait.ge [sflag:s23], $0x1  }
0xa9: {  	[sflag:s23] =	ssyncset.done $0x0  }
0xaa: {  	s25 =	simm.s32 $0x1B8E;
	s24 =	sld [smem:$0x3FFE];
	[sflag:s23] =	ssyncadd.s32 $0xFFFFFFFF  }
0xab: {  	s26 =	simm.s32 $execute0_lowered;
	[smem:$0x3FD2] =	sst s25  }
0xac: {  	s5 =	sshll.u32 s26, $0x1;
	_ =	strace $0x80000046;
	[dreg:$0x1] =	wrdreg $0xFFFFFFFF  }
0xad: {  	s28 =	simm.s32 $_size_execute0_lowered;
	s3 =	sadd.s32 s3, s5;
	[dreg:$0x0] =	wrdreg $0x0  }
0xae: {  	s5 =	sshll.u32 s28, $0x1;
	[dreg:$0x2] =	wrdreg s3  }
0xaf: {  	[dreg:$0x3] =	wrdreg s5  }
0xb0: {  	[dreg:$0x4] =	wrdreg $0xC0  }
0xb1: {  	_ =	task [dreg:s7], $0x5FFFF  }
0xb2: {  	[dreg:$0x1] =	wrdreg $0xFFFFFFFF  }
0xb3: {  	[dreg:$0x0] =	wrdreg $0x60  }
0xb4: {  	[dreg:$0x2] =	wrdreg s24  }
0xb5: {  	[dreg:$0x3] =	wrdreg s16  }
0xb6: {  	[dreg:$0x4] =	wrdreg $0x9  }
0xb7: {  	_ =	task.clear_ibuf [dreg:s7], $0x5FFFF;
	_ =	strace $0x90000046  }
0xb8: {  	s29 =	simm.s32 $0x9;
	_ =	strace $0x80000048  }
0xb9: {  	_ =	swait.ge [sflag:s29], $0x1  }
0xba: {  	[sflag:s29] =	ssyncadd.s32 $0xFFFFFFFF  }
0xbb: {  	_ =	strace $0x90000048  }
0xbc: {  	_ =	sfence  }
0xbd: {  	s30 =	sld [smem:$0x0];
	_ =	sdelay $0x2  }
0xbe: {  	s31 =	sshll.u32 s1, $0xD;
	s1 =	sshrl.u32 s1, $0x2  }
0xbf: {  	s3 =	sand.u32 $0x4000, s31;
	s1 =	sadd.s32 s1, s30  }
0xc0: {  	s0 =	sor.u32 s3, s0;
	s1 =	sshll.u32 s1, $0x11  }
0xc1: {  	s0 =	sor.u32 s1, s0  }
0xc2: {  	s0 =	sadd.s32 $0x8F2B, s0  }
0xc3: {  	[sflag:s0] =	ssyncadd.remote.s32 $0x1  }
0xc4: {  	_ =	sfence.sel $0xFFFF  }
0xc5: {  	[dreg:$0x0] =	wrdreg $0xFFFFFFFF;
	(pc) =	sbr.abs _section_cstart, $3  }
0xc6: {  	[dreg:$0x1] =	wrdreg $0xFFFFFFFF  }
0xc7: {  	_ =	task.clear_ibuf [dreg:s7], $0x2FFFF;
	_ =	strace $0x9FFFFFFF  }
0xc8: {  	(tm) =	ssettm $0x7FFFFFFF  }
0xc9: {  	_ =	shalt  }
tec
execute0_lowered:
.L_overlay_start_1:
0x0: {  	(tag) =	ssettag $0x1  }
0x1: {  	s1 =	srdreg.scid;
	s0 =	stileid.u32  }
0x2: {  	s12 =	sand.u32 $0x1, s1;
	s30 =	sshll.u32 s0, $0x1  }
0x3: {  	s5 =	rddreg [dreg:$0x0];
	s13 =	sor.u32 s12, s30  }
0x4: {  	s14 =	rddreg [dreg:$0x1];
	s3 =	smul.u32 $0x24, s13  }
0x5: {  	s2 =	simm.s32 $0x0;
	s1 =	rddreg [dreg:$0x2]  }
0x6: {  	[smem:$0x7FF] =	sst s2;
	s3 =	sadd.s32 s3, s5  }
0x7: {  	_ =	strace $0x80000047;
	s4 =	sadd.s32 $0x10200, s3;
	s3 =	simm.s32 $0x2  }
0x8: {  	[tilespmem:s2], [sflag:$0x2] =	stream.linear.gather [hbm4b:s4+s2], $0x120, $0x38;
	[tilespmem:$0x4920] =	vst v63  }
0x9: {  	_ =	swait.ge [sflag:s3], $0x120  }
0xa: {  	s6 =	simm.s32 $0x60;
	[sflag:s3] =	ssyncset.done $0x0  }
0xb: {  	s7 =	simm.s32 $0x120;
	s5 =	sadd.s32 $0x200, s5;
	[sflag:s3] =	ssyncadd.s32 $0xFFFFFEE0  }
0xc: {  	[tilespmem:s7], [sflag:$0x1] =	stream.indirect.gather [hbm4b:s5+s6], $0x40, s2, s6, $0xb8;
	[tilespmem:$0x4920] =	vst v63  }
0xd: {  	s8 =	simm.s32 $0x1920  }
0xe: {  	[tilespmem:s8], [sflag:$0x1] =	stream.indirect.gather [hbm4b:s5+s6], $0x40, s6, s6, $0xb8;
	[tilespmem:$0x4920] =	vst v63  }
0xf: {  	s9 =	simm.s32 $0xC0;
	s10 =	simm.s32 $0x3120;
	s11 =	simm.s32 $0x1  }
0x10: {  	[tilespmem:s10], [sflag:$0x1] =	stream.indirect.gather [hbm4b:s5+s6], $0x40, s9, s6, $0xb8;
	[tilespmem:$0x4920] =	vst v63  }
0x11: {  	_ =	swait.ge [sflag:s11], $0x1800  }
0x12: {  	[sflag:s11] =	ssyncset.done $0x0  }
0x13: {  	s12 =	ssub.s32 $0x2, s12;
	[sflag:s11] =	ssyncadd.s32 $0xFFFFE800  }
0x14: {  	s15 =	sshrl.u32 s12, $0x1;
	_ =	swait.ge [sflag:s11], $0x1800  }
0x15: {  	s15 =	ssub.s32 s12, s15;
	[sflag:s11] =	ssyncset.done $0x0  }
0x16: {  	s31 =	smax.u32 s15, $0x1;
	[sflag:s11] =	ssyncadd.s32 $0xFFFFE800  }
0x17: {  	s13 =	smul.u32 $0x900, s13;
	p0 =	sne.s32 s31, $0x1;
	_ =	swait.ge [sflag:s11], $0x1800  }
.Ltmp0:
0x18: {  	[sflag:s11] =	ssyncset.done $0x0;
	(pc) =	sbr.rel @!p0 .LBB2_2-.Ltmp0, $4  }
0x19: {  	s12 =	sadd.s32 s14, s13;
	[sflag:s11] =	ssyncadd.s32 $0xFFFFE800  }
0x1a: {  	[hbm4b:s12+s2] =	stream.linear.scatter [tilespmem:s7], [sflag:$0x2], $0x4800, $0x38;
	[tilespmem:$0x4920] =	vst v63  }
0x1b: {  	_ =	swait.ge [sflag:s3], $0x4800  }
0x1c: {  	s13 =	sadd.s32 $0xFFFFFFFF, s31;
	[sflag:s3] =	ssyncset.done $0x0  }
.LBB2_1:
0x1d: {  	p0 =	sne.s32 s13, $0x1;
	s13 =	sadd.s32 $0xFFFFFFFF, s13;
	[sflag:s3] =	ssyncadd.s32 $0xFFFFB800  }
0x1e: {  	[tilespmem:s2], [sflag:$0x2] =	stream.linear.gather [hbm4b:s4+s2], $0x120, $0x38;
	[tilespmem:$0x4920] =	vst v63  }
0x1f: {  	_ =	swait.ge [sflag:s3], $0x120  }
0x20: {  	[sflag:s3] =	ssyncset.done $0x0  }
0x21: {  	[sflag:s3] =	ssyncadd.s32 $0xFFFFFEE0  }
0x22: {  	[tilespmem:s7], [sflag:$0x1] =	stream.indirect.gather [hbm4b:s5+s6], $0x40, s2, s6, $0xb8;
	[tilespmem:$0x4920] =	vst v63  }
0x23: {  	_ = 	snop  }
0x24: {  	[tilespmem:s8], [sflag:$0x1] =	stream.indirect.gather [hbm4b:s5+s6], $0x40, s6, s6, $0xb8;
	[tilespmem:$0x4920] =	vst v63  }
0x25: {  	_ = 	snop  }
0x26: {  	[tilespmem:s10], [sflag:$0x1] =	stream.indirect.gather [hbm4b:s5+s6], $0x40, s9, s6, $0xb8;
	[tilespmem:$0x4920] =	vst v63  }
0x27: {  	_ =	swait.ge [sflag:s11], $0x1800  }
0x28: {  	[sflag:s11] =	ssyncset.done $0x0  }
0x29: {  	[sflag:s11] =	ssyncadd.s32 $0xFFFFE800  }
0x2a: {  	_ =	swait.ge [sflag:s11], $0x1800  }
0x2b: {  	[sflag:s11] =	ssyncset.done $0x0  }
0x2c: {  	[sflag:s11] =	ssyncadd.s32 $0xFFFFE800  }
0x2d: {  	_ =	swait.ge [sflag:s11], $0x1800  }
.Ltmp1:
0x2e: {  	[sflag:s11] =	ssyncset.done $0x0;
	(pc) =	sbr.rel @p0 .LBB2_1-.Ltmp1, $4  }
0x2f: {  	[sflag:s11] =	ssyncadd.s32 $0xFFFFE800  }
0x30: {  	[hbm4b:s12+s2] =	stream.linear.scatter [tilespmem:s7], [sflag:$0x2], $0x4800, $0x38;
	[tilespmem:$0x4920] =	vst v63  }
0x31: {  	_ =	swait.ge [sflag:s3], $0x4800  }
0x32: {  	[sflag:s3] =	ssyncset.done $0x0  }
.LBB2_2:
0x33: {  	[sflag:s3] =	ssyncadd.s32 $0xFFFFB800  }
0x34: {  	_ =	sfence.sel $0x180000  }
0x35: {  	[bflag:$0x0] =	sbarrier.arrive $0xFFFF  }
0x36: {  	p0 =	sne.s32 s0, $0x0;
	_ =	strace $0x90000047  }
0x37: {  	s0 =	sadd.s32 @!p0 $0x100000, s1;
	[bflag:$0x2] =	sbarrier.arrive $0xFFFF  }
0x38: {  	[sflag:s0] =	ssyncadd.tile.s32 @!p0 $0x1;
	_ =	shalt  }
.Lfunc_end2:
_tile_overlayer_lowered:
.L_overlay_start_2:
0x39: {  	(tag) =	ssettag $0x2  }
0x3a: {  	s0 =	rddreg [dreg:$0x0];
	s2 =	stileid.u32  }
0x3b: {  	s1 =	rddreg [dreg:$0x1];
	p0 =	sne.s32 s2, $0x0  }
0x3c: {  	s3 =	rddreg [dreg:$0x2];
	[bflag:$0x3] =	sbarrier.arrive $0xFFFF;
	s2 =	simm.s32 @!p0 $0x1C02  }
0x3d: {  	[timem:s3], [sflag:s2] =	dma.local @!p0 [hbm:s0], s1  }
0x3e: {  	s0 =	simm.s32 @!p0 $0x2  }
0x3f: {  	_ =	swait.ge @!p0 [sflag:s0], s1  }
0x40: {  	s1 =	ssub.s32 @!p0 $0x0, s1;
	[sflag:s0] =	ssyncset.done @!p0 $0x0  }
0x41: {  	[sflag:s0] =	ssyncadd.s32 @!p0 s1  }
0x42: {  	[bflag:$0x3] =	sbarrier.arrive $0xFFFF  }
0x43: {  	_ =	shalt  }

</sc_bundles>
